<compile_context>
chip_gen: v7x
topology: tpu7x:2x2x1
jax: 0.10.2.dev20260603
libtpu: 0.0.44.dev20260713+nightly
codegen_flags: <defaults>
</compile_context>

<pallas_src>
import functools

import jax
import jax.numpy as jnp
from jax import lax
from jax.experimental import pallas as pl
from jax.experimental.pallas import tpu as pltpu
from jax.experimental.pallas import tpu_sc as plsc

N_NODES = 10000
D = 128
N_GRAPHS = 64
N_CLASSES = 10

NC = 2
NS = 16
CH = 128
CPW = 80
NBUF = 2
EPW = 320000 // (NC * NS)
ROWS = 10240
RPW = ROWS // NS

@functools.cache
def _sc_kernels():
    mesh = plsc.VectorSubcoreMesh(core_axis_name="c", subcore_axis_name="s",
                                  num_cores=NC)

    @functools.partial(
        pl.kernel,
        mesh=mesh,
        out_type=jax.ShapeDtypeStruct((NC, ROWS, D), jnp.float32),
        scratch_types=[
            pltpu.VMEM((CPW, CH), jnp.int32),
            pltpu.VMEM((CH, D), jnp.float32),
            pltpu.VMEM_SHARED((ROWS, D), jnp.float32),
            pltpu.SemaphoreType.DMA,
        ],
    )
    def deg_kernel(dstw_hbm, ones_hbm, zer_hbm, out_hbm,
                   dst_v, ones_v, dacc, sem):
        c = lax.axis_index("c")
        s = lax.axis_index("s")
        w = s * NC + c
        pltpu.sync_copy(dstw_hbm.at[w], dst_v)
        pltpu.sync_copy(ones_hbm, ones_v)
        pltpu.sync_copy(zer_hbm, dacc.at[pl.ds(s * RPW, RPW)])
        plsc.subcore_barrier()

        def body(i, carry):
            pltpu.sync_copy(ones_v, dacc.at[dst_v.at[i]], add=True)
            return carry

        lax.fori_loop(0, CPW, body, 0)
        plsc.subcore_barrier()
        pltpu.sync_copy(dacc.at[pl.ds(s * RPW, RPW)],
                        out_hbm.at[c, pl.ds(s * RPW, RPW)])

    @functools.partial(
        pl.kernel,
        mesh=mesh,
        out_type=jax.ShapeDtypeStruct((NC, ROWS, D), jnp.float32),
        scratch_types=(
            [pltpu.VMEM((NBUF, CH), jnp.int32),
             pltpu.VMEM((CPW, CH), jnp.int32)]
            + [pltpu.VMEM((CH, D), jnp.float32)] * NBUF
            + [pltpu.VMEM_SHARED((ROWS, D), jnp.float32)]
            + [pltpu.SemaphoreType.DMA] * (3 * NBUF)
        ),
    )
    def mp_kernel(y_hbm, srcw_hbm, dstw_hbm, zer_hbm, out_hbm,
                  src_r, dst_v, *rest):
        bufs = rest[:NBUF]
        acc = rest[NBUF]
        isems = rest[NBUF + 1:2 * NBUF + 1]
        gsems = rest[2 * NBUF + 1:3 * NBUF + 1]
        ssems = rest[3 * NBUF + 1:]
        c = lax.axis_index("c")
        s = lax.axis_index("s")
        w = s * NC + c
        pltpu.sync_copy(dstw_hbm.at[w], dst_v)
        pltpu.sync_copy(zer_hbm, acc.at[pl.ds(s * RPW, RPW)])
        plsc.subcore_barrier()

        for b in range(NBUF):
            pltpu.async_copy(srcw_hbm.at[w, b], src_r.at[b], isems[b])
        for b in range(NBUF):
            pltpu.make_async_copy(srcw_hbm.at[w, b], src_r.at[b],
                                  isems[b]).wait()
            pltpu.async_copy(y_hbm.at[src_r.at[b]], bufs[b], gsems[b])

        def body(j, carry):
            base = j * NBUF
            for b in range(NBUF):
                e = base + b
                pltpu.make_async_copy(y_hbm.at[src_r.at[b]], bufs[b],
                                      gsems[b]).wait()

                @pl.when(e + NBUF < CPW)
                def _():
                    pltpu.async_copy(srcw_hbm.at[w, e + NBUF], src_r.at[b],
                                     isems[b])

                pltpu.async_copy(bufs[b], acc.at[dst_v.at[e]], ssems[b],
                                 add=True)
            for b in range(NBUF):
                e = base + b
                pltpu.make_async_copy(bufs[b], acc.at[dst_v.at[e]],
                                      ssems[b]).wait()

                @pl.when(e + NBUF < CPW)
                def _():
                    nxt = e + NBUF
                    pltpu.make_async_copy(srcw_hbm.at[w, nxt], src_r.at[b],
                                          isems[b]).wait()
                    pltpu.async_copy(y_hbm.at[src_r.at[b]], bufs[b],
                                     gsems[b])

            return carry

        lax.fori_loop(0, CPW // NBUF, body, 0)
        plsc.subcore_barrier()
        pltpu.sync_copy(acc.at[pl.ds(s * RPW, RPW)],
                        out_hbm.at[c, pl.ds(s * RPW, RPW)])

    return deg_kernel, mp_kernel



_BN = 2000
_GRID = N_NODES // _BN


def _dinv(da, db):
    return lax.rsqrt(da[..., 0:1] + db[..., 0:1] + 1.0)


def _prep_body(x_ref, w_ref, da_ref, db_ref, o_ref):
    xw = jnp.dot(x_ref[...], w_ref[...], preferred_element_type=jnp.float32)
    o_ref[...] = xw * _dinv(da_ref[...], db_ref[...])


def _layer2_body(p0_ref, p1_ref, y1_ref, da_ref, db_ref, b1_ref, w2_ref, o_ref):
    dinv = _dinv(da_ref[...], db_ref[...])
    h = dinv * (p0_ref[...] + p1_ref[...] + y1_ref[...]) + b1_ref[...]
    h = jnp.maximum(h, 0.0)
    o_ref[...] = dinv * jnp.dot(h, w2_ref[...],
                                preferred_element_type=jnp.float32)


def _final_body(q0_ref, q1_ref, y2_ref, da_ref, db_ref, b2_ref, bat_ref,
                wl_ref, bl_ref, o_ref, sums, counts):
    i = pl.program_id(0)

    @pl.when(i == 0)
    def _():
        sums[...] = jnp.zeros_like(sums)
        counts[...] = jnp.zeros_like(counts)

    dinv = _dinv(da_ref[...], db_ref[...])
    h2 = dinv * (q0_ref[...] + q1_ref[...] + y2_ref[...]) + b2_ref[...]
    b = bat_ref[0, 0, :]
    onehot = (lax.broadcasted_iota(jnp.int32, (N_GRAPHS, _BN), 0)
              == b[None, :]).astype(jnp.float32)
    sums[...] += jnp.dot(onehot, h2, preferred_element_type=jnp.float32)
    counts[...] += jnp.broadcast_to(
        jnp.sum(onehot, axis=1, keepdims=True), (N_GRAPHS, D))

    @pl.when(i == _GRID - 1)
    def _():
        pooled = sums[...] / jnp.maximum(counts[...], 1.0)
        logits = jnp.dot(pooled, wl_ref[...],
                         preferred_element_type=jnp.float32) + bl_ref[...]
        m = jnp.max(logits, axis=1, keepdims=True)
        z = logits - m
        o_ref[...] = z - jnp.log(jnp.sum(jnp.exp(z), axis=1, keepdims=True))


def _row_spec(i):
    return (i, 0)


def _fixed_spec(i):
    return (0, 0)


_prep_call = pl.pallas_call(
    _prep_body,
    grid=(_GRID,),
    in_specs=[pl.BlockSpec((_BN, D), _row_spec),
              pl.BlockSpec((D, D), _fixed_spec),
              pl.BlockSpec((_BN, 16), _row_spec),
              pl.BlockSpec((_BN, 16), _row_spec)],
    out_specs=pl.BlockSpec((_BN, D), _row_spec),
    out_shape=jax.ShapeDtypeStruct((N_NODES, D), jnp.float32),
)

_layer2_call = pl.pallas_call(
    _layer2_body,
    grid=(_GRID,),
    in_specs=[pl.BlockSpec((_BN, D), _row_spec),
              pl.BlockSpec((_BN, D), _row_spec),
              pl.BlockSpec((_BN, D), _row_spec),
              pl.BlockSpec((_BN, 16), _row_spec),
              pl.BlockSpec((_BN, 16), _row_spec),
              pl.BlockSpec((1, D), _fixed_spec),
              pl.BlockSpec((D, D), _fixed_spec)],
    out_specs=pl.BlockSpec((_BN, D), _row_spec),
    out_shape=jax.ShapeDtypeStruct((N_NODES, D), jnp.float32),
)

_final_call = pl.pallas_call(
    _final_body,
    grid=(_GRID,),
    in_specs=[pl.BlockSpec((_BN, D), _row_spec),
              pl.BlockSpec((_BN, D), _row_spec),
              pl.BlockSpec((_BN, D), _row_spec),
              pl.BlockSpec((_BN, 16), _row_spec),
              pl.BlockSpec((_BN, 16), _row_spec),
              pl.BlockSpec((1, D), _fixed_spec),
              pl.BlockSpec((1, 1, _BN), lambda i: (i, 0, 0)),
              pl.BlockSpec((D, N_CLASSES), _fixed_spec),
              pl.BlockSpec((1, N_CLASSES), _fixed_spec)],
    out_specs=pl.BlockSpec((N_GRAPHS, N_CLASSES), _fixed_spec),
    out_shape=jax.ShapeDtypeStruct((N_GRAPHS, N_CLASSES), jnp.float32),
    scratch_shapes=[pltpu.VMEM((N_GRAPHS, D), jnp.float32),
                    pltpu.VMEM((N_GRAPHS, D), jnp.float32)],
)



def kernel(x, edge_index, batch, W1, b1, W2, b2, Wlin, blin):
    nw = NC * NS
    src = edge_index[0].astype(jnp.int32).reshape(nw, EPW)
    dst = edge_index[1].astype(jnp.int32).reshape(nw, EPW)
    padn = CPW * CH - EPW
    npad_rows = ROWS - N_NODES
    woff = jnp.arange(nw, dtype=jnp.int32)[:, None]
    k = jnp.arange(padn, dtype=jnp.int32)[None, :]
    pad_src = (woff * 31 + k * 91) % N_NODES
    pad_dst = N_NODES + (woff * 17 + k) % npad_rows
    srcw = jnp.concatenate([src, pad_src], axis=1).reshape(nw, CPW, CH)
    dstw = jnp.concatenate([dst, pad_dst], axis=1).reshape(nw, CPW, CH)

    onesD = jnp.ones((CH, D), jnp.float32)
    zerD = jnp.zeros((RPW, D), jnp.float32)

    deg_kernel, mp_kernel = _sc_kernels()
    degp = deg_kernel(dstw, onesD, zerD)
    dega = degp[0, :N_NODES, :16]
    degb = degp[1, :N_NODES, :16]

    y1 = _prep_call(x, W1, dega, degb)

    p = mp_kernel(y1, srcw, dstw, zerD)
    y2 = _layer2_call(p[0, :N_NODES], p[1, :N_NODES], y1, dega, degb,
                      b1.reshape(1, D), W2)

    q = mp_kernel(y2, srcw, dstw, zerD)
    out = _final_call(q[0, :N_NODES], q[1, :N_NODES], y2, dega, degb,
                      b2.reshape(1, D),
                      batch.astype(jnp.int32).reshape(_GRID, 1, _BN),
                      Wlin, blin.reshape(1, N_CLASSES))
    return out

# --- scband reference (transcript-rebuilt; emitter-appended) ---
"""Pipeline reference for scband-gcn-65446711656856 (READ-ONLY COPY).

The authoritative reference and input builder live on the scoring server;
editing this copy changes nothing except your own understanding.
"""

import jax, jax.numpy as jnp
import numpy as np

N_NODES = 10000
N_EDGES = 320000
D_FEAT = 128
HIDDEN = 128
N_CLASSES = 10
N_GRAPHS = 64


def setup_inputs(seed: int = 0) -> dict:
    key = jax.random.key(seed)
    ks = jax.random.split(key, 10)
    x = jax.random.normal(ks[0], (N_NODES, D_FEAT), dtype=jnp.float32)
    edge_index = jax.random.randint(ks[1], (2, N_EDGES), 0, N_NODES, dtype=jnp.int64)
    batch = jnp.sort(jax.random.randint(ks[2], (N_NODES,), 0, N_GRAPHS, dtype=jnp.int64))
    W1 = jax.random.normal(ks[3], (D_FEAT, HIDDEN), dtype=jnp.float32) * (1.0 / np.sqrt(D_FEAT))
    b1 = jnp.zeros((HIDDEN,), dtype=jnp.float32)
    W2 = jax.random.normal(ks[4], (HIDDEN, HIDDEN), dtype=jnp.float32) * (1.0 / np.sqrt(HIDDEN))
    b2 = jnp.zeros((HIDDEN,), dtype=jnp.float32)
    Wlin = jax.random.normal(ks[5], (HIDDEN, N_CLASSES), dtype=jnp.float32) * (1.0 / np.sqrt(HIDDEN))
    blin = jnp.zeros((N_CLASSES,), dtype=jnp.float32)
    return {"x": x, "edge_index": edge_index, "batch": batch,
            "W1": W1, "b1": b1, "W2": W2, "b2": b2, "Wlin": Wlin, "blin": blin}


def _gcn_conv(x, src, dst, W, b, num_nodes):
    # add self loops
    loop = jnp.arange(num_nodes, dtype=src.dtype)
    s = jnp.concatenate([src, loop])
    d = jnp.concatenate([dst, loop])
    deg = jnp.zeros((num_nodes,), dtype=x.dtype).at[d].add(1.0)
    dinv = jnp.where(deg > 0, 1.0 / jnp.sqrt(deg), 0.0)
    norm = dinv[s] * dinv[d]
    xw = x @ W
    msg = xw[s] * norm[:, None]
    out = jnp.zeros((num_nodes, W.shape[1]), dtype=x.dtype).at[d].add(msg)
    return out + b


def reference(x, edge_index, batch, W1, b1, W2, b2, Wlin, blin):
    src = edge_index[0]
    dst = edge_index[1]
    h = _gcn_conv(x, src, dst, W1, b1, N_NODES)
    h = jax.nn.relu(h)
    # dropout skipped (eval mode, training=False)
    h = _gcn_conv(h, src, dst, W2, b2, N_NODES)
    # global mean pool over batch assignment
    sums = jax.ops.segment_sum(h, batch, num_segments=N_GRAPHS)
    counts = jax.ops.segment_sum(jnp.ones((N_NODES,), dtype=h.dtype), batch, num_segments=N_GRAPHS)
    pooled = sums / jnp.maximum(counts, 1.0)[:, None]
    logits = pooled @ Wlin + blin
    return jax.nn.log_softmax(logits, axis=1)

if __name__ == "__main__":
    import jax
    _d = setup_inputs()
    print(jax.jit(kernel)(*tuple(_d.values())))

</pallas_src>

<mosaic_0001>
#map = affine_map<(d0, d1) -> (0, 0, 0)>
#map1 = affine_map<(d0, d1) -> (0, 0)>
module attributes {stable_mosaic.version = 14 : i64} {
  func.func @deg_kernel(%arg0: i32, %arg1: i32, %arg2: memref<32x80x128xi32, #tpu.memory_space<hbm>>, %arg3: memref<128x128xf32, #tpu.memory_space<hbm>>, %arg4: memref<640x128xf32, #tpu.memory_space<hbm>>, %arg5: memref<2x10240x128xf32, #tpu.memory_space<hbm>>, %arg6: memref<80x128xi32, #tpu.memory_space<vmem>>, %arg7: memref<128x128xf32, #tpu.memory_space<vmem>>, %arg8: memref<10240x128xf32, #tpu.memory_space<vmem_shared>>, %arg9: memref<!tpu.dma_semaphore, #tpu.memory_space<semaphore_mem>>) attributes {dimension_semantics = [#tpu.dimension_semantics<core_parallel>, #tpu.dimension_semantics<subcore_parallel>], iteration_bounds = array<i64: 2, 16>, scalar_prefetch = 0 : i64, scratch_operands = 4 : i64, tpu.core_type = #tpu.core_type<sc_vector_subcore>, window_params = [{transform_indices = #map}, {transform_indices = #map1}, {transform_indices = #map1}, {transform_indices = #map}]} {
    %mul3A = arith.constant 2 : i32
    %mul3A_0 = arith.muli %arg1, %mul3A : i32
    %add3A = arith.addi %mul3A_0, %arg0 : i32
    "tpu.region"() ({
      %run_scoped3A = tpu.sem_alloc : memref<!tpu.dma_semaphore, #tpu.memory_space<semaphore_mem>>
      %dma_start3A = arith.constant 0 : i32
      %dma_start3A_13 = arith.constant 0 : i32
      %dma_start3A_14 = tpu.memref_slice %arg2[%add3A, %dma_start3A, %dma_start3A_13] : memref<32x80x128xi32, #tpu.memory_space<hbm>> -> memref<1x80x128xi32, #tpu.memory_space<hbm>>
      %dma_start3A_15 = tpu.memref_squeeze %dma_start3A_14 : memref<1x80x128xi32, #tpu.memory_space<hbm>> -> memref<80x128xi32, #tpu.memory_space<hbm>>
      %dma_start3A_16 = arith.constant 0 : i32
      %dma_start3A_17 = arith.constant 0 : i32
      %dma_start3A_18 = tpu.memref_slice %arg2[%add3A, %dma_start3A_16, %dma_start3A_17] : memref<32x80x128xi32, #tpu.memory_space<hbm>> -> memref<1x80x128xi32, #tpu.memory_space<hbm>>
      %dma_start3A_19 = tpu.memref_squeeze %dma_start3A_18 : memref<1x80x128xi32, #tpu.memory_space<hbm>> -> memref<80x128xi32, #tpu.memory_space<hbm>>
      tpu.enqueue_dma source(%dma_start3A_19 : memref<80x128xi32, #tpu.memory_space<hbm>>) target(%arg6 : memref<80x128xi32, #tpu.memory_space<vmem>>) target_semaphore(%run_scoped3A : memref<!tpu.dma_semaphore, #tpu.memory_space<semaphore_mem>>)
      %dma_wait3A = arith.constant 0 : i32
      %dma_wait3A_20 = arith.constant 0 : i32
      %dma_wait3A_21 = tpu.memref_slice %arg2[%add3A, %dma_wait3A, %dma_wait3A_20] : memref<32x80x128xi32, #tpu.memory_space<hbm>> -> memref<1x80x128xi32, #tpu.memory_space<hbm>>
      %dma_wait3A_22 = tpu.memref_squeeze %dma_wait3A_21 : memref<1x80x128xi32, #tpu.memory_space<hbm>> -> memref<80x128xi32, #tpu.memory_space<hbm>>
      %dma_wait3A_23 = arith.constant 0 : i32
      %dma_wait3A_24 = arith.constant 0 : i32
      %dma_wait3A_25 = tpu.memref_slice %arg2[%add3A, %dma_wait3A_23, %dma_wait3A_24] : memref<32x80x128xi32, #tpu.memory_space<hbm>> -> memref<1x80x128xi32, #tpu.memory_space<hbm>>
      %dma_wait3A_26 = tpu.memref_squeeze %dma_wait3A_25 : memref<1x80x128xi32, #tpu.memory_space<hbm>> -> memref<80x128xi32, #tpu.memory_space<hbm>>
      tpu.wait_dma2 semaphore(%run_scoped3A : memref<!tpu.dma_semaphore, #tpu.memory_space<semaphore_mem>>) src(%dma_wait3A_26 : memref<80x128xi32, #tpu.memory_space<hbm>>) dst(%arg6 : memref<80x128xi32, #tpu.memory_space<vmem>>)
      tpu.yield
    }) : () -> ()
    "tpu.region"() ({
      %run_scoped3A = tpu.sem_alloc : memref<!tpu.dma_semaphore, #tpu.memory_space<semaphore_mem>>
      tpu.enqueue_dma source(%arg3 : memref<128x128xf32, #tpu.memory_space<hbm>>) target(%arg7 : memref<128x128xf32, #tpu.memory_space<vmem>>) target_semaphore(%run_scoped3A : memref<!tpu.dma_semaphore, #tpu.memory_space<semaphore_mem>>)
      tpu.wait_dma2 semaphore(%run_scoped3A : memref<!tpu.dma_semaphore, #tpu.memory_space<semaphore_mem>>) src(%arg3 : memref<128x128xf32, #tpu.memory_space<hbm>>) dst(%arg7 : memref<128x128xf32, #tpu.memory_space<vmem>>)
      tpu.yield
    }) : () -> ()
    %mul3A_1 = arith.constant 640 : i32
    %mul3A_2 = arith.muli %arg1, %mul3A_1 : i32
    "tpu.region"() ({
      %run_scoped3A = tpu.sem_alloc : memref<!tpu.dma_semaphore, #tpu.memory_space<semaphore_mem>>
      %dma_start3A = arith.constant 0 : i32
      %dma_start3A_13 = tpu.memref_slice %arg8[%mul3A_2, %dma_start3A] : memref<10240x128xf32, #tpu.memory_space<vmem_shared>> -> memref<640x128xf32, #tpu.memory_space<vmem_shared>>
      tpu.enqueue_dma source(%arg4 : memref<640x128xf32, #tpu.memory_space<hbm>>) target(%dma_start3A_13 : memref<640x128xf32, #tpu.memory_space<vmem_shared>>) target_semaphore(%run_scoped3A : memref<!tpu.dma_semaphore, #tpu.memory_space<semaphore_mem>>)
      %dma_wait3A = arith.constant 0 : i32
      %dma_wait3A_14 = tpu.memref_slice %arg8[%mul3A_2, %dma_wait3A] : memref<10240x128xf32, #tpu.memory_space<vmem_shared>> -> memref<640x128xf32, #tpu.memory_space<vmem_shared>>
      tpu.wait_dma2 semaphore(%run_scoped3A : memref<!tpu.dma_semaphore, #tpu.memory_space<semaphore_mem>>) src(%arg4 : memref<640x128xf32, #tpu.memory_space<hbm>>) dst(%dma_wait3A_14 : memref<640x128xf32, #tpu.memory_space<vmem_shared>>)
      tpu.yield
    }) : () -> ()
    %barrier3A = arith.constant 0 : index
    tpu.barrier barrier_id(%barrier3A)
    %scan3A = arith.constant 0 : i32
    %scan3A_3 = arith.constant 0 : i32
    %scan3A_4 = arith.constant 80 : i32
    %scan3A_5 = arith.addi %scan3A_3, %scan3A_4 : i32
    %scan3A_6 = arith.constant 1 : i32
    scf.for %scan3A_13 = %scan3A_3 to %scan3A_5 step %scan3A_6  : i32 {
      "tpu.region"() ({
        %run_scoped3A = tpu.sem_alloc : memref<!tpu.dma_semaphore, #tpu.memory_space<semaphore_mem>>
        %dma_start3A = arith.constant 0 : i32
        %dma_start3A_14 = tpu.memref_slice %arg6[%scan3A_13, %dma_start3A] : memref<80x128xi32, #tpu.memory_space<vmem>> -> memref<1x128xi32, #tpu.memory_space<vmem>>
        %dma_start3A_15 = tpu.memref_squeeze %dma_start3A_14 : memref<1x128xi32, #tpu.memory_space<vmem>> -> memref<128xi32, #tpu.memory_space<vmem>>
        %dma_start3A_16 = arith.constant 0 : i32
        %dma_start3A_17 = arith.constant 0 : i32
        %dma_start3A_18 = tpu.memref_slice %arg8[%dma_start3A_16, %dma_start3A_17] : memref<10240x128xf32, #tpu.memory_space<vmem_shared>> -> memref<10240x128xf32, #tpu.memory_space<vmem_shared>>
        tpu.enqueue_indirect_dma source(%arg7 : memref<128x128xf32, #tpu.memory_space<vmem>>) target(%dma_start3A_18 : memref<10240x128xf32, #tpu.memory_space<vmem_shared>>) offsets(%dma_start3A_15 : memref<128xi32, #tpu.memory_space<vmem>>) semaphore(%run_scoped3A : memref<!tpu.dma_semaphore, #tpu.memory_space<semaphore_mem>>) {add = true}
        %dma_wait3A = arith.constant 0 : i32
        %dma_wait3A_19 = tpu.memref_slice %arg6[%scan3A_13, %dma_wait3A] : memref<80x128xi32, #tpu.memory_space<vmem>> -> memref<1x128xi32, #tpu.memory_space<vmem>>
        %dma_wait3A_20 = tpu.memref_squeeze %dma_wait3A_19 : memref<1x128xi32, #tpu.memory_space<vmem>> -> memref<128xi32, #tpu.memory_space<vmem>>
        %dma_wait3A_21 = arith.constant 0 : i32
        %dma_wait3A_22 = arith.constant 0 : i32
        %dma_wait3A_23 = tpu.memref_slice %arg8[%dma_wait3A_21, %dma_wait3A_22] : memref<10240x128xf32, #tpu.memory_space<vmem_shared>> -> memref<10240x128xf32, #tpu.memory_space<vmem_shared>>
        tpu.wait_indirect_dma semaphore(%run_scoped3A : memref<!tpu.dma_semaphore, #tpu.memory_space<semaphore_mem>>) src(%arg7 : memref<128x128xf32, #tpu.memory_space<vmem>>) dst(%dma_wait3A_23 : memref<10240x128xf32, #tpu.memory_space<vmem_shared>>)
        tpu.yield
      }) : () -> ()
    }
    %scan3A_7 = arith.constant 80 : i32
    %barrier3A_8 = arith.constant 0 : index
    tpu.barrier barrier_id(%barrier3A_8)
    %mul3A_9 = arith.constant 640 : i32
    %mul3A_10 = arith.muli %arg1, %mul3A_9 : i32
    %mul3A_11 = arith.constant 640 : i32
    %mul3A_12 = arith.muli %arg1, %mul3A_11 : i32
    "tpu.region"() ({
      %run_scoped3A = tpu.sem_alloc : memref<!tpu.dma_semaphore, #tpu.memory_space<semaphore_mem>>
      %dma_start3A = arith.constant 0 : i32
      %dma_start3A_13 = tpu.memref_slice %arg5[%arg0, %mul3A_12, %dma_start3A] : memref<2x10240x128xf32, #tpu.memory_space<hbm>> -> memref<1x640x128xf32, #tpu.memory_space<hbm>>
      %dma_start3A_14 = tpu.memref_squeeze %dma_start3A_13 : memref<1x640x128xf32, #tpu.memory_space<hbm>> -> memref<640x128xf32, #tpu.memory_space<hbm>>
      %dma_start3A_15 = arith.constant 0 : i32
      %dma_start3A_16 = tpu.memref_slice %arg8[%mul3A_10, %dma_start3A_15] : memref<10240x128xf32, #tpu.memory_space<vmem_shared>> -> memref<640x128xf32, #tpu.memory_space<vmem_shared>>
      tpu.enqueue_dma source(%dma_start3A_16 : memref<640x128xf32, #tpu.memory_space<vmem_shared>>) target(%dma_start3A_14 : memref<640x128xf32, #tpu.memory_space<hbm>>) target_semaphore(%run_scoped3A : memref<!tpu.dma_semaphore, #tpu.memory_space<semaphore_mem>>)
      %dma_wait3A = arith.constant 0 : i32
      %dma_wait3A_17 = tpu.memref_slice %arg5[%arg0, %mul3A_12, %dma_wait3A] : memref<2x10240x128xf32, #tpu.memory_space<hbm>> -> memref<1x640x128xf32, #tpu.memory_space<hbm>>
      %dma_wait3A_18 = tpu.memref_squeeze %dma_wait3A_17 : memref<1x640x128xf32, #tpu.memory_space<hbm>> -> memref<640x128xf32, #tpu.memory_space<hbm>>
      %dma_wait3A_19 = arith.constant 0 : i32
      %dma_wait3A_20 = tpu.memref_slice %arg8[%mul3A_10, %dma_wait3A_19] : memref<10240x128xf32, #tpu.memory_space<vmem_shared>> -> memref<640x128xf32, #tpu.memory_space<vmem_shared>>
      tpu.wait_dma2 semaphore(%run_scoped3A : memref<!tpu.dma_semaphore, #tpu.memory_space<semaphore_mem>>) src(%dma_wait3A_20 : memref<640x128xf32, #tpu.memory_space<vmem_shared>>) dst(%dma_wait3A_18 : memref<640x128xf32, #tpu.memory_space<hbm>>)
      tpu.yield
    }) : () -> ()
    return
  }
}

#map = affine_map<(d0, d1) -> (0, 0)>
#map1 = affine_map<(d0, d1) -> (0, 0, 0)>
module attributes {stable_mosaic.version = 14 : i64} {
  func.func @mp_kernel(%arg0: i32, %arg1: i32, %arg2: memref<10000x128xf32, #tpu.memory_space<hbm>>, %arg3: memref<32x80x128xi32, #tpu.memory_space<hbm>>, %arg4: memref<32x80x128xi32, #tpu.memory_space<hbm>>, %arg5: memref<640x128xf32, #tpu.memory_space<hbm>>, %arg6: memref<2x10240x128xf32, #tpu.memory_space<hbm>>, %arg7: memref<2x128xi32, #tpu.memory_space<vmem>>, %arg8: memref<80x128xi32, #tpu.memory_space<vmem>>, %arg9: memref<128x128xf32, #tpu.memory_space<vmem>>, %arg10: memref<128x128xf32, #tpu.memory_space<vmem>>, %arg11: memref<10240x128xf32, #tpu.memory_space<vmem_shared>>, %arg12: memref<!tpu.dma_semaphore, #tpu.memory_space<semaphore_mem>>, %arg13: memref<!tpu.dma_semaphore, #tpu.memory_space<semaphore_mem>>, %arg14: memref<!tpu.dma_semaphore, #tpu.memory_space<semaphore_mem>>, %arg15: memref<!tpu.dma_semaphore, #tpu.memory_space<semaphore_mem>>, %arg16: memref<!tpu.dma_semaphore, #tpu.memory_space<semaphore_mem>>, %arg17: memref<!tpu.dma_semaphore, #tpu.memory_space<semaphore_mem>>) attributes {dimension_semantics = [#tpu.dimension_semantics<core_parallel>, #tpu.dimension_semantics<subcore_parallel>], iteration_bounds = array<i64: 2, 16>, scalar_prefetch = 0 : i64, scratch_operands = 11 : i64, tpu.core_type = #tpu.core_type<sc_vector_subcore>, window_params = [{transform_indices = #map}, {transform_indices = #map1}, {transform_indices = #map1}, {transform_indices = #map}, {transform_indices = #map1}]} {
    %mul3A = arith.constant 2 : i32
    %mul3A_0 = arith.muli %arg1, %mul3A : i32
    %add3A = arith.addi %mul3A_0, %arg0 : i32
    "tpu.region"() ({
      %run_scoped3A = tpu.sem_alloc : memref<!tpu.dma_semaphore, #tpu.memory_space<semaphore_mem>>
      %dma_start3A_81 = arith.constant 0 : i32
      %dma_start3A_82 = arith.constant 0 : i32
      %dma_start3A_83 = tpu.memref_slice %arg4[%add3A, %dma_start3A_81, %dma_start3A_82] : memref<32x80x128xi32, #tpu.memory_space<hbm>> -> memref<1x80x128xi32, #tpu.memory_space<hbm>>
      %dma_start3A_84 = tpu.memref_squeeze %dma_start3A_83 : memref<1x80x128xi32, #tpu.memory_space<hbm>> -> memref<80x128xi32, #tpu.memory_space<hbm>>
      %dma_start3A_85 = arith.constant 0 : i32
      %dma_start3A_86 = arith.constant 0 : i32
      %dma_start3A_87 = tpu.memref_slice %arg4[%add3A, %dma_start3A_85, %dma_start3A_86] : memref<32x80x128xi32, #tpu.memory_space<hbm>> -> memref<1x80x128xi32, #tpu.memory_space<hbm>>
      %dma_start3A_88 = tpu.memref_squeeze %dma_start3A_87 : memref<1x80x128xi32, #tpu.memory_space<hbm>> -> memref<80x128xi32, #tpu.memory_space<hbm>>
      tpu.enqueue_dma source(%dma_start3A_88 : memref<80x128xi32, #tpu.memory_space<hbm>>) target(%arg8 : memref<80x128xi32, #tpu.memory_space<vmem>>) target_semaphore(%run_scoped3A : memref<!tpu.dma_semaphore, #tpu.memory_space<semaphore_mem>>)
      %dma_wait3A_89 = arith.constant 0 : i32
      %dma_wait3A_90 = arith.constant 0 : i32
      %dma_wait3A_91 = tpu.memref_slice %arg4[%add3A, %dma_wait3A_89, %dma_wait3A_90] : memref<32x80x128xi32, #tpu.memory_space<hbm>> -> memref<1x80x128xi32, #tpu.memory_space<hbm>>
      %dma_wait3A_92 = tpu.memref_squeeze %dma_wait3A_91 : memref<1x80x128xi32, #tpu.memory_space<hbm>> -> memref<80x128xi32, #tpu.memory_space<hbm>>
      %dma_wait3A_93 = arith.constant 0 : i32
      %dma_wait3A_94 = arith.constant 0 : i32
      %dma_wait3A_95 = tpu.memref_slice %arg4[%add3A, %dma_wait3A_93, %dma_wait3A_94] : memref<32x80x128xi32, #tpu.memory_space<hbm>> -> memref<1x80x128xi32, #tpu.memory_space<hbm>>
      %dma_wait3A_96 = tpu.memref_squeeze %dma_wait3A_95 : memref<1x80x128xi32, #tpu.memory_space<hbm>> -> memref<80x128xi32, #tpu.memory_space<hbm>>
      tpu.wait_dma2 semaphore(%run_scoped3A : memref<!tpu.dma_semaphore, #tpu.memory_space<semaphore_mem>>) src(%dma_wait3A_96 : memref<80x128xi32, #tpu.memory_space<hbm>>) dst(%arg8 : memref<80x128xi32, #tpu.memory_space<vmem>>)
      tpu.yield
    }) : () -> ()
    %mul3A_1 = arith.constant 640 : i32
    %mul3A_2 = arith.muli %arg1, %mul3A_1 : i32
    "tpu.region"() ({
      %run_scoped3A = tpu.sem_alloc : memref<!tpu.dma_semaphore, #tpu.memory_space<semaphore_mem>>
      %dma_start3A_81 = arith.constant 0 : i32
      %dma_start3A_82 = tpu.memref_slice %arg11[%mul3A_2, %dma_start3A_81] : memref<10240x128xf32, #tpu.memory_space<vmem_shared>> -> memref<640x128xf32, #tpu.memory_space<vmem_shared>>
      tpu.enqueue_dma source(%arg5 : memref<640x128xf32, #tpu.memory_space<hbm>>) target(%dma_start3A_82 : memref<640x128xf32, #tpu.memory_space<vmem_shared>>) target_semaphore(%run_scoped3A : memref<!tpu.dma_semaphore, #tpu.memory_space<semaphore_mem>>)
      %dma_wait3A_83 = arith.constant 0 : i32
      %dma_wait3A_84 = tpu.memref_slice %arg11[%mul3A_2, %dma_wait3A_83] : memref<10240x128xf32, #tpu.memory_space<vmem_shared>> -> memref<640x128xf32, #tpu.memory_space<vmem_shared>>
      tpu.wait_dma2 semaphore(%run_scoped3A : memref<!tpu.dma_semaphore, #tpu.memory_space<semaphore_mem>>) src(%arg5 : memref<640x128xf32, #tpu.memory_space<hbm>>) dst(%dma_wait3A_84 : memref<640x128xf32, #tpu.memory_space<vmem_shared>>)
      tpu.yield
    }) : () -> ()
    %barrier3A = arith.constant 0 : index
    tpu.barrier barrier_id(%barrier3A)
    %dma_start3A = arith.constant 0 : i32
    %dma_start3A_3 = arith.constant 0 : i32
    %dma_start3A_4 = arith.constant 0 : i32
    %dma_start3A_5 = tpu.memref_slice %arg7[%dma_start3A_3, %dma_start3A_4] : memref<2x128xi32, #tpu.memory_space<vmem>> -> memref<1x128xi32, #tpu.memory_space<vmem>>
    %dma_start3A_6 = tpu.memref_squeeze %dma_start3A_5 : memref<1x128xi32, #tpu.memory_space<vmem>> -> memref<128xi32, #tpu.memory_space<vmem>>
    %dma_start3A_7 = arith.constant 0 : i32
    %dma_start3A_8 = tpu.memref_slice %arg3[%add3A, %dma_start3A, %dma_start3A_7] : memref<32x80x128xi32, #tpu.memory_space<hbm>> -> memref<1x1x128xi32, #tpu.memory_space<hbm>>
    %dma_start3A_9 = tpu.memref_squeeze %dma_start3A_8 : memref<1x1x128xi32, #tpu.memory_space<hbm>> -> memref<128xi32, #tpu.memory_space<hbm>>
    %dma_start3A_10 = arith.constant 0 : i32
    %dma_start3A_11 = tpu.memref_slice %arg7[%dma_start3A_3, %dma_start3A_10] : memref<2x128xi32, #tpu.memory_space<vmem>> -> memref<1x128xi32, #tpu.memory_space<vmem>>
    %dma_start3A_12 = tpu.memref_squeeze %dma_start3A_11 : memref<1x128xi32, #tpu.memory_space<vmem>> -> memref<128xi32, #tpu.memory_space<vmem>>
    %dma_start3A_13 = arith.constant 0 : i32
    %dma_start3A_14 = tpu.memref_slice %arg3[%add3A, %dma_start3A, %dma_start3A_13] : memref<32x80x128xi32, #tpu.memory_space<hbm>> -> memref<1x1x128xi32, #tpu.memory_space<hbm>>
    %dma_start3A_15 = tpu.memref_squeeze %dma_start3A_14 : memref<1x1x128xi32, #tpu.memory_space<hbm>> -> memref<128xi32, #tpu.memory_space<hbm>>
    tpu.enqueue_dma source(%dma_start3A_15 : memref<128xi32, #tpu.memory_space<hbm>>) target(%dma_start3A_12 : memref<128xi32, #tpu.memory_space<vmem>>) target_semaphore(%arg12 : memref<!tpu.dma_semaphore, #tpu.memory_space<semaphore_mem>>)
    %dma_start3A_16 = arith.constant 1 : i32
    %dma_start3A_17 = arith.constant 1 : i32
    %dma_start3A_18 = arith.constant 0 : i32
    %dma_start3A_19 = tpu.memref_slice %arg7[%dma_start3A_17, %dma_start3A_18] : memref<2x128xi32, #tpu.memory_space<vmem>> -> memref<1x128xi32, #tpu.memory_space<vmem>>
    %dma_start3A_20 = tpu.memref_squeeze %dma_start3A_19 : memref<1x128xi32, #tpu.memory_space<vmem>> -> memref<128xi32, #tpu.memory_space<vmem>>
    %dma_start3A_21 = arith.constant 0 : i32
    %dma_start3A_22 = tpu.memref_slice %arg3[%add3A, %dma_start3A_16, %dma_start3A_21] : memref<32x80x128xi32, #tpu.memory_space<hbm>> -> memref<1x1x128xi32, #tpu.memory_space<hbm>>
    %dma_start3A_23 = tpu.memref_squeeze %dma_start3A_22 : memref<1x1x128xi32, #tpu.memory_space<hbm>> -> memref<128xi32, #tpu.memory_space<hbm>>
    %dma_start3A_24 = arith.constant 0 : i32
    %dma_start3A_25 = tpu.memref_slice %arg7[%dma_start3A_17, %dma_start3A_24] : memref<2x128xi32, #tpu.memory_space<vmem>> -> memref<1x128xi32, #tpu.memory_space<vmem>>
    %dma_start3A_26 = tpu.memref_squeeze %dma_start3A_25 : memref<1x128xi32, #tpu.memory_space<vmem>> -> memref<128xi32, #tpu.memory_space<vmem>>
    %dma_start3A_27 = arith.constant 0 : i32
    %dma_start3A_28 = tpu.memref_slice %arg3[%add3A, %dma_start3A_16, %dma_start3A_27] : memref<32x80x128xi32, #tpu.memory_space<hbm>> -> memref<1x1x128xi32, #tpu.memory_space<hbm>>
    %dma_start3A_29 = tpu.memref_squeeze %dma_start3A_28 : memref<1x1x128xi32, #tpu.memory_space<hbm>> -> memref<128xi32, #tpu.memory_space<hbm>>
    tpu.enqueue_dma source(%dma_start3A_29 : memref<128xi32, #tpu.memory_space<hbm>>) target(%dma_start3A_26 : memref<128xi32, #tpu.memory_space<vmem>>) target_semaphore(%arg13 : memref<!tpu.dma_semaphore, #tpu.memory_space<semaphore_mem>>)
    %dma_wait3A = arith.constant 0 : i32
    %dma_wait3A_30 = arith.constant 0 : i32
    %dma_wait3A_31 = arith.constant 0 : i32
    %dma_wait3A_32 = tpu.memref_slice %arg7[%dma_wait3A_30, %dma_wait3A_31] : memref<2x128xi32, #tpu.memory_space<vmem>> -> memref<1x128xi32, #tpu.memory_space<vmem>>
    %dma_wait3A_33 = tpu.memref_squeeze %dma_wait3A_32 : memref<1x128xi32, #tpu.memory_space<vmem>> -> memref<128xi32, #tpu.memory_space<vmem>>
    %dma_wait3A_34 = arith.constant 0 : i32
    %dma_wait3A_35 = tpu.memref_slice %arg3[%add3A, %dma_wait3A, %dma_wait3A_34] : memref<32x80x128xi32, #tpu.memory_space<hbm>> -> memref<1x1x128xi32, #tpu.memory_space<hbm>>
    %dma_wait3A_36 = tpu.memref_squeeze %dma_wait3A_35 : memref<1x1x128xi32, #tpu.memory_space<hbm>> -> memref<128xi32, #tpu.memory_space<hbm>>
    %dma_wait3A_37 = arith.constant 0 : i32
    %dma_wait3A_38 = tpu.memref_slice %arg7[%dma_wait3A_30, %dma_wait3A_37] : memref<2x128xi32, #tpu.memory_space<vmem>> -> memref<1x128xi32, #tpu.memory_space<vmem>>
    %dma_wait3A_39 = tpu.memref_squeeze %dma_wait3A_38 : memref<1x128xi32, #tpu.memory_space<vmem>> -> memref<128xi32, #tpu.memory_space<vmem>>
    %dma_wait3A_40 = arith.constant 0 : i32
    %dma_wait3A_41 = tpu.memref_slice %arg3[%add3A, %dma_wait3A, %dma_wait3A_40] : memref<32x80x128xi32, #tpu.memory_space<hbm>> -> memref<1x1x128xi32, #tpu.memory_space<hbm>>
    %dma_wait3A_42 = tpu.memref_squeeze %dma_wait3A_41 : memref<1x1x128xi32, #tpu.memory_space<hbm>> -> memref<128xi32, #tpu.memory_space<hbm>>
    tpu.wait_dma2 semaphore(%arg12 : memref<!tpu.dma_semaphore, #tpu.memory_space<semaphore_mem>>) src(%dma_wait3A_42 : memref<128xi32, #tpu.memory_space<hbm>>) dst(%dma_wait3A_39 : memref<128xi32, #tpu.memory_space<vmem>>)
    %dma_start3A_43 = arith.constant 0 : i32
    %dma_start3A_44 = arith.constant 0 : i32
    %dma_start3A_45 = tpu.memref_slice %arg7[%dma_start3A_43, %dma_start3A_44] : memref<2x128xi32, #tpu.memory_space<vmem>> -> memref<1x128xi32, #tpu.memory_space<vmem>>
    %dma_start3A_46 = tpu.memref_squeeze %dma_start3A_45 : memref<1x128xi32, #tpu.memory_space<vmem>> -> memref<128xi32, #tpu.memory_space<vmem>>
    %dma_start3A_47 = arith.constant 0 : i32
    %dma_start3A_48 = arith.constant 0 : i32
    %dma_start3A_49 = tpu.memref_slice %arg2[%dma_start3A_47, %dma_start3A_48] : memref<10000x128xf32, #tpu.memory_space<hbm>> -> memref<10000x128xf32, #tpu.memory_space<hbm>>
    tpu.enqueue_indirect_dma source(%dma_start3A_49 : memref<10000x128xf32, #tpu.memory_space<hbm>>) target(%arg9 : memref<128x128xf32, #tpu.memory_space<vmem>>) offsets(%dma_start3A_46 : memref<128xi32, #tpu.memory_space<vmem>>) semaphore(%arg14 : memref<!tpu.dma_semaphore, #tpu.memory_space<semaphore_mem>>)
    %dma_wait3A_50 = arith.constant 1 : i32
    %dma_wait3A_51 = arith.constant 1 : i32
    %dma_wait3A_52 = arith.constant 0 : i32
    %dma_wait3A_53 = tpu.memref_slice %arg7[%dma_wait3A_51, %dma_wait3A_52] : memref<2x128xi32, #tpu.memory_space<vmem>> -> memref<1x128xi32, #tpu.memory_space<vmem>>
    %dma_wait3A_54 = tpu.memref_squeeze %dma_wait3A_53 : memref<1x128xi32, #tpu.memory_space<vmem>> -> memref<128xi32, #tpu.memory_space<vmem>>
    %dma_wait3A_55 = arith.constant 0 : i32
    %dma_wait3A_56 = tpu.memref_slice %arg3[%add3A, %dma_wait3A_50, %dma_wait3A_55] : memref<32x80x128xi32, #tpu.memory_space<hbm>> -> memref<1x1x128xi32, #tpu.memory_space<hbm>>
    %dma_wait3A_57 = tpu.memref_squeeze %dma_wait3A_56 : memref<1x1x128xi32, #tpu.memory_space<hbm>> -> memref<128xi32, #tpu.memory_space<hbm>>
    %dma_wait3A_58 = arith.constant 0 : i32
    %dma_wait3A_59 = tpu.memref_slice %arg7[%dma_wait3A_51, %dma_wait3A_58] : memref<2x128xi32, #tpu.memory_space<vmem>> -> memref<1x128xi32, #tpu.memory_space<vmem>>
    %dma_wait3A_60 = tpu.memref_squeeze %dma_wait3A_59 : memref<1x128xi32, #tpu.memory_space<vmem>> -> memref<128xi32, #tpu.memory_space<vmem>>
    %dma_wait3A_61 = arith.constant 0 : i32
    %dma_wait3A_62 = tpu.memref_slice %arg3[%add3A, %dma_wait3A_50, %dma_wait3A_61] : memref<32x80x128xi32, #tpu.memory_space<hbm>> -> memref<1x1x128xi32, #tpu.memory_space<hbm>>
    %dma_wait3A_63 = tpu.memref_squeeze %dma_wait3A_62 : memref<1x1x128xi32, #tpu.memory_space<hbm>> -> memref<128xi32, #tpu.memory_space<hbm>>
    tpu.wait_dma2 semaphore(%arg13 : memref<!tpu.dma_semaphore, #tpu.memory_space<semaphore_mem>>) src(%dma_wait3A_63 : memref<128xi32, #tpu.memory_space<hbm>>) dst(%dma_wait3A_60 : memref<128xi32, #tpu.memory_space<vmem>>)
    %dma_start3A_64 = arith.constant 1 : i32
    %dma_start3A_65 = arith.constant 0 : i32
    %dma_start3A_66 = tpu.memref_slice %arg7[%dma_start3A_64, %dma_start3A_65] : memref<2x128xi32, #tpu.memory_space<vmem>> -> memref<1x128xi32, #tpu.memory_space<vmem>>
    %dma_start3A_67 = tpu.memref_squeeze %dma_start3A_66 : memref<1x128xi32, #tpu.memory_space<vmem>> -> memref<128xi32, #tpu.memory_space<vmem>>
    %dma_start3A_68 = arith.constant 0 : i32
    %dma_start3A_69 = arith.constant 0 : i32
    %dma_start3A_70 = tpu.memref_slice %arg2[%dma_start3A_68, %dma_start3A_69] : memref<10000x128xf32, #tpu.memory_space<hbm>> -> memref<10000x128xf32, #tpu.memory_space<hbm>>
    tpu.enqueue_indirect_dma source(%dma_start3A_70 : memref<10000x128xf32, #tpu.memory_space<hbm>>) target(%arg10 : memref<128x128xf32, #tpu.memory_space<vmem>>) offsets(%dma_start3A_67 : memref<128xi32, #tpu.memory_space<vmem>>) semaphore(%arg15 : memref<!tpu.dma_semaphore, #tpu.memory_space<semaphore_mem>>)
    %scan3A = arith.constant 0 : i32
    %scan3A_71 = arith.constant 0 : i32
    %scan3A_72 = arith.constant 40 : i32
    %scan3A_73 = arith.addi %scan3A_71, %scan3A_72 : i32
    %scan3A_74 = arith.constant 1 : i32
    scf.for %scan3A_81 = %scan3A_71 to %scan3A_73 step %scan3A_74  : i32 {
      %mul3A_82 = arith.constant 2 : i32
      %mul3A_83 = arith.muli %scan3A_81, %mul3A_82 : i32
      %add3A_84 = arith.constant 0 : i32
      %add3A_85 = arith.addi %mul3A_83, %add3A_84 : i32
      %dma_wait3A_86 = arith.constant 0 : i32
      %dma_wait3A_87 = arith.constant 0 : i32
      %dma_wait3A_88 = tpu.memref_slice %arg7[%dma_wait3A_86, %dma_wait3A_87] : memref<2x128xi32, #tpu.memory_space<vmem>> -> memref<1x128xi32, #tpu.memory_space<vmem>>
      %dma_wait3A_89 = tpu.memref_squeeze %dma_wait3A_88 : memref<1x128xi32, #tpu.memory_space<vmem>> -> memref<128xi32, #tpu.memory_space<vmem>>
      %dma_wait3A_90 = arith.constant 0 : i32
      %dma_wait3A_91 = arith.constant 0 : i32
      %dma_wait3A_92 = tpu.memref_slice %arg2[%dma_wait3A_90, %dma_wait3A_91] : memref<10000x128xf32, #tpu.memory_space<hbm>> -> memref<10000x128xf32, #tpu.memory_space<hbm>>
      tpu.wait_indirect_dma semaphore(%arg14 : memref<!tpu.dma_semaphore, #tpu.memory_space<semaphore_mem>>) src(%dma_wait3A_92 : memref<10000x128xf32, #tpu.memory_space<hbm>>) dst(%arg9 : memref<128x128xf32, #tpu.memory_space<vmem>>)
      %add3A_93 = arith.constant 2 : i32
      %add3A_94 = arith.addi %add3A_85, %add3A_93 : i32
      %lt3A = arith.constant 80 : i32
      %lt3A_95 = arith.cmpi slt, %add3A_94, %lt3A : i32
      %convert_element_type3A = arith.extui %lt3A_95 : i1 to i32
      %cond3A = arith.constant 0 : i32
      %cond3A_96 = arith.cmpi ne, %convert_element_type3A, %cond3A : i32
      scf.if %cond3A_96 {
        %add3A_155 = arith.constant 2 : i32
        %add3A_156 = arith.addi %add3A_85, %add3A_155 : i32
        %dma_start3A_157 = arith.constant 0 : i32
        %dma_start3A_158 = arith.constant 0 : i32
        %dma_start3A_159 = tpu.memref_slice %arg7[%dma_start3A_157, %dma_start3A_158] : memref<2x128xi32, #tpu.memory_space<vmem>> -> memref<1x128xi32, #tpu.memory_space<vmem>>
        %dma_start3A_160 = tpu.memref_squeeze %dma_start3A_159 : memref<1x128xi32, #tpu.memory_space<vmem>> -> memref<128xi32, #tpu.memory_space<vmem>>
        %dma_start3A_161 = arith.constant 0 : i32
        %dma_start3A_162 = tpu.memref_slice %arg3[%add3A, %add3A_156, %dma_start3A_161] : memref<32x80x128xi32, #tpu.memory_space<hbm>> -> memref<1x1x128xi32, #tpu.memory_space<hbm>>
        %dma_start3A_163 = tpu.memref_squeeze %dma_start3A_162 : memref<1x1x128xi32, #tpu.memory_space<hbm>> -> memref<128xi32, #tpu.memory_space<hbm>>
        %dma_start3A_164 = arith.constant 0 : i32
        %dma_start3A_165 = tpu.memref_slice %arg7[%dma_start3A_157, %dma_start3A_164] : memref<2x128xi32, #tpu.memory_space<vmem>> -> memref<1x128xi32, #tpu.memory_space<vmem>>
        %dma_start3A_166 = tpu.memref_squeeze %dma_start3A_165 : memref<1x128xi32, #tpu.memory_space<vmem>> -> memref<128xi32, #tpu.memory_space<vmem>>
        %dma_start3A_167 = arith.constant 0 : i32
        %dma_start3A_168 = tpu.memref_slice %arg3[%add3A, %add3A_156, %dma_start3A_167] : memref<32x80x128xi32, #tpu.memory_space<hbm>> -> memref<1x1x128xi32, #tpu.memory_space<hbm>>
        %dma_start3A_169 = tpu.memref_squeeze %dma_start3A_168 : memref<1x1x128xi32, #tpu.memory_space<hbm>> -> memref<128xi32, #tpu.memory_space<hbm>>
        tpu.enqueue_dma source(%dma_start3A_169 : memref<128xi32, #tpu.memory_space<hbm>>) target(%dma_start3A_166 : memref<128xi32, #tpu.memory_space<vmem>>) target_semaphore(%arg12 : memref<!tpu.dma_semaphore, #tpu.memory_space<semaphore_mem>>)
      } else {
      }
      %dma_start3A_97 = arith.constant 0 : i32
      %dma_start3A_98 = tpu.memref_slice %arg8[%add3A_85, %dma_start3A_97] : memref<80x128xi32, #tpu.memory_space<vmem>> -> memref<1x128xi32, #tpu.memory_space<vmem>>
      %dma_start3A_99 = tpu.memref_squeeze %dma_start3A_98 : memref<1x128xi32, #tpu.memory_space<vmem>> -> memref<128xi32, #tpu.memory_space<vmem>>
      %dma_start3A_100 = arith.constant 0 : i32
      %dma_start3A_101 = arith.constant 0 : i32
      %dma_start3A_102 = tpu.memref_slice %arg11[%dma_start3A_100, %dma_start3A_101] : memref<10240x128xf32, #tpu.memory_space<vmem_shared>> -> memref<10240x128xf32, #tpu.memory_space<vmem_shared>>
      tpu.enqueue_indirect_dma source(%arg9 : memref<128x128xf32, #tpu.memory_space<vmem>>) target(%dma_start3A_102 : memref<10240x128xf32, #tpu.memory_space<vmem_shared>>) offsets(%dma_start3A_99 : memref<128xi32, #tpu.memory_space<vmem>>) semaphore(%arg16 : memref<!tpu.dma_semaphore, #tpu.memory_space<semaphore_mem>>) {add = true}
      %add3A_103 = arith.constant 1 : i32
      %add3A_104 = arith.addi %mul3A_83, %add3A_103 : i32
      %dma_wait3A_105 = arith.constant 1 : i32
      %dma_wait3A_106 = arith.constant 0 : i32
      %dma_wait3A_107 = tpu.memref_slice %arg7[%dma_wait3A_105, %dma_wait3A_106] : memref<2x128xi32, #tpu.memory_space<vmem>> -> memref<1x128xi32, #tpu.memory_space<vmem>>
      %dma_wait3A_108 = tpu.memref_squeeze %dma_wait3A_107 : memref<1x128xi32, #tpu.memory_space<vmem>> -> memref<128xi32, #tpu.memory_space<vmem>>
      %dma_wait3A_109 = arith.constant 0 : i32
      %dma_wait3A_110 = arith.constant 0 : i32
      %dma_wait3A_111 = tpu.memref_slice %arg2[%dma_wait3A_109, %dma_wait3A_110] : memref<10000x128xf32, #tpu.memory_space<hbm>> -> memref<10000x128xf32, #tpu.memory_space<hbm>>
      tpu.wait_indirect_dma semaphore(%arg15 : memref<!tpu.dma_semaphore, #tpu.memory_space<semaphore_mem>>) src(%dma_wait3A_111 : memref<10000x128xf32, #tpu.memory_space<hbm>>) dst(%arg10 : memref<128x128xf32, #tpu.memory_space<vmem>>)
      %add3A_112 = arith.constant 2 : i32
      %add3A_113 = arith.addi %add3A_104, %add3A_112 : i32
      %lt3A_114 = arith.constant 80 : i32
      %lt3A_115 = arith.cmpi slt, %add3A_113, %lt3A_114 : i32
      %convert_element_type3A_116 = arith.extui %lt3A_115 : i1 to i32
      %cond3A_117 = arith.constant 0 : i32
      %cond3A_118 = arith.cmpi ne, %convert_element_type3A_116, %cond3A_117 : i32
      scf.if %cond3A_118 {
        %add3A_155 = arith.constant 2 : i32
        %add3A_156 = arith.addi %add3A_104, %add3A_155 : i32
        %dma_start3A_157 = arith.constant 1 : i32
        %dma_start3A_158 = arith.constant 0 : i32
        %dma_start3A_159 = tpu.memref_slice %arg7[%dma_start3A_157, %dma_start3A_158] : memref<2x128xi32, #tpu.memory_space<vmem>> -> memref<1x128xi32, #tpu.memory_space<vmem>>
        %dma_start3A_160 = tpu.memref_squeeze %dma_start3A_159 : memref<1x128xi32, #tpu.memory_space<vmem>> -> memref<128xi32, #tpu.memory_space<vmem>>
        %dma_start3A_161 = arith.constant 0 : i32
        %dma_start3A_162 = tpu.memref_slice %arg3[%add3A, %add3A_156, %dma_start3A_161] : memref<32x80x128xi32, #tpu.memory_space<hbm>> -> memref<1x1x128xi32, #tpu.memory_space<hbm>>
        %dma_start3A_163 = tpu.memref_squeeze %dma_start3A_162 : memref<1x1x128xi32, #tpu.memory_space<hbm>> -> memref<128xi32, #tpu.memory_space<hbm>>
        %dma_start3A_164 = arith.constant 0 : i32
        %dma_start3A_165 = tpu.memref_slice %arg7[%dma_start3A_157, %dma_start3A_164] : memref<2x128xi32, #tpu.memory_space<vmem>> -> memref<1x128xi32, #tpu.memory_space<vmem>>
        %dma_start3A_166 = tpu.memref_squeeze %dma_start3A_165 : memref<1x128xi32, #tpu.memory_space<vmem>> -> memref<128xi32, #tpu.memory_space<vmem>>
        %dma_start3A_167 = arith.constant 0 : i32
        %dma_start3A_168 = tpu.memref_slice %arg3[%add3A, %add3A_156, %dma_start3A_167] : memref<32x80x128xi32, #tpu.memory_space<hbm>> -> memref<1x1x128xi32, #tpu.memory_space<hbm>>
        %dma_start3A_169 = tpu.memref_squeeze %dma_start3A_168 : memref<1x1x128xi32, #tpu.memory_space<hbm>> -> memref<128xi32, #tpu.memory_space<hbm>>
        tpu.enqueue_dma source(%dma_start3A_169 : memref<128xi32, #tpu.memory_space<hbm>>) target(%dma_start3A_166 : memref<128xi32, #tpu.memory_space<vmem>>) target_semaphore(%arg13 : memref<!tpu.dma_semaphore, #tpu.memory_space<semaphore_mem>>)
      } else {
      }
      %dma_start3A_119 = arith.constant 0 : i32
      %dma_start3A_120 = tpu.memref_slice %arg8[%add3A_104, %dma_start3A_119] : memref<80x128xi32, #tpu.memory_space<vmem>> -> memref<1x128xi32, #tpu.memory_space<vmem>>
      %dma_start3A_121 = tpu.memref_squeeze %dma_start3A_120 : memref<1x128xi32, #tpu.memory_space<vmem>> -> memref<128xi32, #tpu.memory_space<vmem>>
      %dma_start3A_122 = arith.constant 0 : i32
      %dma_start3A_123 = arith.constant 0 : i32
      %dma_start3A_124 = tpu.memref_slice %arg11[%dma_start3A_122, %dma_start3A_123] : memref<10240x128xf32, #tpu.memory_space<vmem_shared>> -> memref<10240x128xf32, #tpu.memory_space<vmem_shared>>
      tpu.enqueue_indirect_dma source(%arg10 : memref<128x128xf32, #tpu.memory_space<vmem>>) target(%dma_start3A_124 : memref<10240x128xf32, #tpu.memory_space<vmem_shared>>) offsets(%dma_start3A_121 : memref<128xi32, #tpu.memory_space<vmem>>) semaphore(%arg17 : memref<!tpu.dma_semaphore, #tpu.memory_space<semaphore_mem>>) {add = true}
      %add3A_125 = arith.constant 0 : i32
      %add3A_126 = arith.addi %mul3A_83, %add3A_125 : i32
      %dma_wait3A_127 = arith.constant 0 : i32
      %dma_wait3A_128 = tpu.memref_slice %arg8[%add3A_126, %dma_wait3A_127] : memref<80x128xi32, #tpu.memory_space<vmem>> -> memref<1x128xi32, #tpu.memory_space<vmem>>
      %dma_wait3A_129 = tpu.memref_squeeze %dma_wait3A_128 : memref<1x128xi32, #tpu.memory_space<vmem>> -> memref<128xi32, #tpu.memory_space<vmem>>
      %dma_wait3A_130 = arith.constant 0 : i32
      %dma_wait3A_131 = arith.constant 0 : i32
      %dma_wait3A_132 = tpu.memref_slice %arg11[%dma_wait3A_130, %dma_wait3A_131] : memref<10240x128xf32, #tpu.memory_space<vmem_shared>> -> memref<10240x128xf32, #tpu.memory_space<vmem_shared>>
      tpu.wait_indirect_dma semaphore(%arg16 : memref<!tpu.dma_semaphore, #tpu.memory_space<semaphore_mem>>) src(%arg9 : memref<128x128xf32, #tpu.memory_space<vmem>>) dst(%dma_wait3A_132 : memref<10240x128xf32, #tpu.memory_space<vmem_shared>>)
      %add3A_133 = arith.constant 2 : i32
      %add3A_134 = arith.addi %add3A_126, %add3A_133 : i32
      %lt3A_135 = arith.constant 80 : i32
      %lt3A_136 = arith.cmpi slt, %add3A_134, %lt3A_135 : i32
      %convert_element_type3A_137 = arith.extui %lt3A_136 : i1 to i32
      %cond3A_138 = arith.constant 0 : i32
      %cond3A_139 = arith.cmpi ne, %convert_element_type3A_137, %cond3A_138 : i32
      scf.if %cond3A_139 {
        %add3A_155 = arith.constant 2 : i32
        %add3A_156 = arith.addi %add3A_126, %add3A_155 : i32
        %dma_wait3A_157 = arith.constant 0 : i32
        %dma_wait3A_158 = arith.constant 0 : i32
        %dma_wait3A_159 = tpu.memref_slice %arg7[%dma_wait3A_157, %dma_wait3A_158] : memref<2x128xi32, #tpu.memory_space<vmem>> -> memref<1x128xi32, #tpu.memory_space<vmem>>
        %dma_wait3A_160 = tpu.memref_squeeze %dma_wait3A_159 : memref<1x128xi32, #tpu.memory_space<vmem>> -> memref<128xi32, #tpu.memory_space<vmem>>
        %dma_wait3A_161 = arith.constant 0 : i32
        %dma_wait3A_162 = tpu.memref_slice %arg3[%add3A, %add3A_156, %dma_wait3A_161] : memref<32x80x128xi32, #tpu.memory_space<hbm>> -> memref<1x1x128xi32, #tpu.memory_space<hbm>>
        %dma_wait3A_163 = tpu.memref_squeeze %dma_wait3A_162 : memref<1x1x128xi32, #tpu.memory_space<hbm>> -> memref<128xi32, #tpu.memory_space<hbm>>
        %dma_wait3A_164 = arith.constant 0 : i32
        %dma_wait3A_165 = tpu.memref_slice %arg7[%dma_wait3A_157, %dma_wait3A_164] : memref<2x128xi32, #tpu.memory_space<vmem>> -> memref<1x128xi32, #tpu.memory_space<vmem>>
        %dma_wait3A_166 = tpu.memref_squeeze %dma_wait3A_165 : memref<1x128xi32, #tpu.memory_space<vmem>> -> memref<128xi32, #tpu.memory_space<vmem>>
        %dma_wait3A_167 = arith.constant 0 : i32
        %dma_wait3A_168 = tpu.memref_slice %arg3[%add3A, %add3A_156, %dma_wait3A_167] : memref<32x80x128xi32, #tpu.memory_space<hbm>> -> memref<1x1x128xi32, #tpu.memory_space<hbm>>
        %dma_wait3A_169 = tpu.memref_squeeze %dma_wait3A_168 : memref<1x1x128xi32, #tpu.memory_space<hbm>> -> memref<128xi32, #tpu.memory_space<hbm>>
        tpu.wait_dma2 semaphore(%arg12 : memref<!tpu.dma_semaphore, #tpu.memory_space<semaphore_mem>>) src(%dma_wait3A_169 : memref<128xi32, #tpu.memory_space<hbm>>) dst(%dma_wait3A_166 : memref<128xi32, #tpu.memory_space<vmem>>)
        %dma_start3A_170 = arith.constant 0 : i32
        %dma_start3A_171 = arith.constant 0 : i32
        %dma_start3A_172 = tpu.memref_slice %arg7[%dma_start3A_170, %dma_start3A_171] : memref<2x128xi32, #tpu.memory_space<vmem>> -> memref<1x128xi32, #tpu.memory_space<vmem>>
        %dma_start3A_173 = tpu.memref_squeeze %dma_start3A_172 : memref<1x128xi32, #tpu.memory_space<vmem>> -> memref<128xi32, #tpu.memory_space<vmem>>
        %dma_start3A_174 = arith.constant 0 : i32
        %dma_start3A_175 = arith.constant 0 : i32
        %dma_start3A_176 = tpu.memref_slice %arg2[%dma_start3A_174, %dma_start3A_175] : memref<10000x128xf32, #tpu.memory_space<hbm>> -> memref<10000x128xf32, #tpu.memory_space<hbm>>
        tpu.enqueue_indirect_dma source(%dma_start3A_176 : memref<10000x128xf32, #tpu.memory_space<hbm>>) target(%arg9 : memref<128x128xf32, #tpu.memory_space<vmem>>) offsets(%dma_start3A_173 : memref<128xi32, #tpu.memory_space<vmem>>) semaphore(%arg14 : memref<!tpu.dma_semaphore, #tpu.memory_space<semaphore_mem>>)
      } else {
      }
      %add3A_140 = arith.constant 1 : i32
      %add3A_141 = arith.addi %mul3A_83, %add3A_140 : i32
      %dma_wait3A_142 = arith.constant 0 : i32
      %dma_wait3A_143 = tpu.memref_slice %arg8[%add3A_141, %dma_wait3A_142] : memref<80x128xi32, #tpu.memory_space<vmem>> -> memref<1x128xi32, #tpu.memory_space<vmem>>
      %dma_wait3A_144 = tpu.memref_squeeze %dma_wait3A_143 : memref<1x128xi32, #tpu.memory_space<vmem>> -> memref<128xi32, #tpu.memory_space<vmem>>
      %dma_wait3A_145 = arith.constant 0 : i32
      %dma_wait3A_146 = arith.constant 0 : i32
      %dma_wait3A_147 = tpu.memref_slice %arg11[%dma_wait3A_145, %dma_wait3A_146] : memref<10240x128xf32, #tpu.memory_space<vmem_shared>> -> memref<10240x128xf32, #tpu.memory_space<vmem_shared>>
      tpu.wait_indirect_dma semaphore(%arg17 : memref<!tpu.dma_semaphore, #tpu.memory_space<semaphore_mem>>) src(%arg10 : memref<128x128xf32, #tpu.memory_space<vmem>>) dst(%dma_wait3A_147 : memref<10240x128xf32, #tpu.memory_space<vmem_shared>>)
      %add3A_148 = arith.constant 2 : i32
      %add3A_149 = arith.addi %add3A_141, %add3A_148 : i32
      %lt3A_150 = arith.constant 80 : i32
      %lt3A_151 = arith.cmpi slt, %add3A_149, %lt3A_150 : i32
      %convert_element_type3A_152 = arith.extui %lt3A_151 : i1 to i32
      %cond3A_153 = arith.constant 0 : i32
      %cond3A_154 = arith.cmpi ne, %convert_element_type3A_152, %cond3A_153 : i32
      scf.if %cond3A_154 {
        %add3A_155 = arith.constant 2 : i32
        %add3A_156 = arith.addi %add3A_141, %add3A_155 : i32
        %dma_wait3A_157 = arith.constant 1 : i32
        %dma_wait3A_158 = arith.constant 0 : i32
        %dma_wait3A_159 = tpu.memref_slice %arg7[%dma_wait3A_157, %dma_wait3A_158] : memref<2x128xi32, #tpu.memory_space<vmem>> -> memref<1x128xi32, #tpu.memory_space<vmem>>
        %dma_wait3A_160 = tpu.memref_squeeze %dma_wait3A_159 : memref<1x128xi32, #tpu.memory_space<vmem>> -> memref<128xi32, #tpu.memory_space<vmem>>
        %dma_wait3A_161 = arith.constant 0 : i32
        %dma_wait3A_162 = tpu.memref_slice %arg3[%add3A, %add3A_156, %dma_wait3A_161] : memref<32x80x128xi32, #tpu.memory_space<hbm>> -> memref<1x1x128xi32, #tpu.memory_space<hbm>>
        %dma_wait3A_163 = tpu.memref_squeeze %dma_wait3A_162 : memref<1x1x128xi32, #tpu.memory_space<hbm>> -> memref<128xi32, #tpu.memory_space<hbm>>
        %dma_wait3A_164 = arith.constant 0 : i32
        %dma_wait3A_165 = tpu.memref_slice %arg7[%dma_wait3A_157, %dma_wait3A_164] : memref<2x128xi32, #tpu.memory_space<vmem>> -> memref<1x128xi32, #tpu.memory_space<vmem>>
        %dma_wait3A_166 = tpu.memref_squeeze %dma_wait3A_165 : memref<1x128xi32, #tpu.memory_space<vmem>> -> memref<128xi32, #tpu.memory_space<vmem>>
        %dma_wait3A_167 = arith.constant 0 : i32
        %dma_wait3A_168 = tpu.memref_slice %arg3[%add3A, %add3A_156, %dma_wait3A_167] : memref<32x80x128xi32, #tpu.memory_space<hbm>> -> memref<1x1x128xi32, #tpu.memory_space<hbm>>
        %dma_wait3A_169 = tpu.memref_squeeze %dma_wait3A_168 : memref<1x1x128xi32, #tpu.memory_space<hbm>> -> memref<128xi32, #tpu.memory_space<hbm>>
        tpu.wait_dma2 semaphore(%arg13 : memref<!tpu.dma_semaphore, #tpu.memory_space<semaphore_mem>>) src(%dma_wait3A_169 : memref<128xi32, #tpu.memory_space<hbm>>) dst(%dma_wait3A_166 : memref<128xi32, #tpu.memory_space<vmem>>)
        %dma_start3A_170 = arith.constant 1 : i32
        %dma_start3A_171 = arith.constant 0 : i32
        %dma_start3A_172 = tpu.memref_slice %arg7[%dma_start3A_170, %dma_start3A_171] : memref<2x128xi32, #tpu.memory_space<vmem>> -> memref<1x128xi32, #tpu.memory_space<vmem>>
        %dma_start3A_173 = tpu.memref_squeeze %dma_start3A_172 : memref<1x128xi32, #tpu.memory_space<vmem>> -> memref<128xi32, #tpu.memory_space<vmem>>
        %dma_start3A_174 = arith.constant 0 : i32
        %dma_start3A_175 = arith.constant 0 : i32
        %dma_start3A_176 = tpu.memref_slice %arg2[%dma_start3A_174, %dma_start3A_175] : memref<10000x128xf32, #tpu.memory_space<hbm>> -> memref<10000x128xf32, #tpu.memory_space<hbm>>
        tpu.enqueue_indirect_dma source(%dma_start3A_176 : memref<10000x128xf32, #tpu.memory_space<hbm>>) target(%arg10 : memref<128x128xf32, #tpu.memory_space<vmem>>) offsets(%dma_start3A_173 : memref<128xi32, #tpu.memory_space<vmem>>) semaphore(%arg15 : memref<!tpu.dma_semaphore, #tpu.memory_space<semaphore_mem>>)
      } else {
      }
    }
    %scan3A_75 = arith.constant 40 : i32
    %barrier3A_76 = arith.constant 0 : index
    tpu.barrier barrier_id(%barrier3A_76)
    %mul3A_77 = arith.constant 640 : i32
    %mul3A_78 = arith.muli %arg1, %mul3A_77 : i32
    %mul3A_79 = arith.constant 640 : i32
    %mul3A_80 = arith.muli %arg1, %mul3A_79 : i32
    "tpu.region"() ({
      %run_scoped3A = tpu.sem_alloc : memref<!tpu.dma_semaphore, #tpu.memory_space<semaphore_mem>>
      %dma_start3A_81 = arith.constant 0 : i32
      %dma_start3A_82 = tpu.memref_slice %arg6[%arg0, %mul3A_80, %dma_start3A_81] : memref<2x10240x128xf32, #tpu.memory_space<hbm>> -> memref<1x640x128xf32, #tpu.memory_space<hbm>>
      %dma_start3A_83 = tpu.memref_squeeze %dma_start3A_82 : memref<1x640x128xf32, #tpu.memory_space<hbm>> -> memref<640x128xf32, #tpu.memory_space<hbm>>
      %dma_start3A_84 = arith.constant 0 : i32
      %dma_start3A_85 = tpu.memref_slice %arg11[%mul3A_78, %dma_start3A_84] : memref<10240x128xf32, #tpu.memory_space<vmem_shared>> -> memref<640x128xf32, #tpu.memory_space<vmem_shared>>
      tpu.enqueue_dma source(%dma_start3A_85 : memref<640x128xf32, #tpu.memory_space<vmem_shared>>) target(%dma_start3A_83 : memref<640x128xf32, #tpu.memory_space<hbm>>) target_semaphore(%run_scoped3A : memref<!tpu.dma_semaphore, #tpu.memory_space<semaphore_mem>>)
      %dma_wait3A_86 = arith.constant 0 : i32
      %dma_wait3A_87 = tpu.memref_slice %arg6[%arg0, %mul3A_80, %dma_wait3A_86] : memref<2x10240x128xf32, #tpu.memory_space<hbm>> -> memref<1x640x128xf32, #tpu.memory_space<hbm>>
      %dma_wait3A_88 = tpu.memref_squeeze %dma_wait3A_87 : memref<1x640x128xf32, #tpu.memory_space<hbm>> -> memref<640x128xf32, #tpu.memory_space<hbm>>
      %dma_wait3A_89 = arith.constant 0 : i32
      %dma_wait3A_90 = tpu.memref_slice %arg11[%mul3A_78, %dma_wait3A_89] : memref<10240x128xf32, #tpu.memory_space<vmem_shared>> -> memref<640x128xf32, #tpu.memory_space<vmem_shared>>
      tpu.wait_dma2 semaphore(%run_scoped3A : memref<!tpu.dma_semaphore, #tpu.memory_space<semaphore_mem>>) src(%dma_wait3A_90 : memref<640x128xf32, #tpu.memory_space<vmem_shared>>) dst(%dma_wait3A_88 : memref<640x128xf32, #tpu.memory_space<hbm>>)
      tpu.yield
    }) : () -> ()
    return
  }
}

#map = affine_map<(d0, d1) -> (0, 0)>
#map1 = affine_map<(d0, d1) -> (0, 0, 0)>
module attributes {stable_mosaic.version = 14 : i64} {
  func.func @mp_kernel(%arg0: i32, %arg1: i32, %arg2: memref<10000x128xf32, #tpu.memory_space<hbm>>, %arg3: memref<32x80x128xi32, #tpu.memory_space<hbm>>, %arg4: memref<32x80x128xi32, #tpu.memory_space<hbm>>, %arg5: memref<640x128xf32, #tpu.memory_space<hbm>>, %arg6: memref<2x10240x128xf32, #tpu.memory_space<hbm>>, %arg7: memref<2x128xi32, #tpu.memory_space<vmem>>, %arg8: memref<80x128xi32, #tpu.memory_space<vmem>>, %arg9: memref<128x128xf32, #tpu.memory_space<vmem>>, %arg10: memref<128x128xf32, #tpu.memory_space<vmem>>, %arg11: memref<10240x128xf32, #tpu.memory_space<vmem_shared>>, %arg12: memref<!tpu.dma_semaphore, #tpu.memory_space<semaphore_mem>>, %arg13: memref<!tpu.dma_semaphore, #tpu.memory_space<semaphore_mem>>, %arg14: memref<!tpu.dma_semaphore, #tpu.memory_space<semaphore_mem>>, %arg15: memref<!tpu.dma_semaphore, #tpu.memory_space<semaphore_mem>>, %arg16: memref<!tpu.dma_semaphore, #tpu.memory_space<semaphore_mem>>, %arg17: memref<!tpu.dma_semaphore, #tpu.memory_space<semaphore_mem>>) attributes {dimension_semantics = [#tpu.dimension_semantics<core_parallel>, #tpu.dimension_semantics<subcore_parallel>], iteration_bounds = array<i64: 2, 16>, scalar_prefetch = 0 : i64, scratch_operands = 11 : i64, tpu.core_type = #tpu.core_type<sc_vector_subcore>, window_params = [{transform_indices = #map}, {transform_indices = #map1}, {transform_indices = #map1}, {transform_indices = #map}, {transform_indices = #map1}]} {
    %mul3A = arith.constant 2 : i32
    %mul3A_0 = arith.muli %arg1, %mul3A : i32
    %add3A = arith.addi %mul3A_0, %arg0 : i32
    "tpu.region"() ({
      %run_scoped3A = tpu.sem_alloc : memref<!tpu.dma_semaphore, #tpu.memory_space<semaphore_mem>>
      %dma_start3A_81 = arith.constant 0 : i32
      %dma_start3A_82 = arith.constant 0 : i32
      %dma_start3A_83 = tpu.memref_slice %arg4[%add3A, %dma_start3A_81, %dma_start3A_82] : memref<32x80x128xi32, #tpu.memory_space<hbm>> -> memref<1x80x128xi32, #tpu.memory_space<hbm>>
      %dma_start3A_84 = tpu.memref_squeeze %dma_start3A_83 : memref<1x80x128xi32, #tpu.memory_space<hbm>> -> memref<80x128xi32, #tpu.memory_space<hbm>>
      %dma_start3A_85 = arith.constant 0 : i32
      %dma_start3A_86 = arith.constant 0 : i32
      %dma_start3A_87 = tpu.memref_slice %arg4[%add3A, %dma_start3A_85, %dma_start3A_86] : memref<32x80x128xi32, #tpu.memory_space<hbm>> -> memref<1x80x128xi32, #tpu.memory_space<hbm>>
      %dma_start3A_88 = tpu.memref_squeeze %dma_start3A_87 : memref<1x80x128xi32, #tpu.memory_space<hbm>> -> memref<80x128xi32, #tpu.memory_space<hbm>>
      tpu.enqueue_dma source(%dma_start3A_88 : memref<80x128xi32, #tpu.memory_space<hbm>>) target(%arg8 : memref<80x128xi32, #tpu.memory_space<vmem>>) target_semaphore(%run_scoped3A : memref<!tpu.dma_semaphore, #tpu.memory_space<semaphore_mem>>)
      %dma_wait3A_89 = arith.constant 0 : i32
      %dma_wait3A_90 = arith.constant 0 : i32
      %dma_wait3A_91 = tpu.memref_slice %arg4[%add3A, %dma_wait3A_89, %dma_wait3A_90] : memref<32x80x128xi32, #tpu.memory_space<hbm>> -> memref<1x80x128xi32, #tpu.memory_space<hbm>>
      %dma_wait3A_92 = tpu.memref_squeeze %dma_wait3A_91 : memref<1x80x128xi32, #tpu.memory_space<hbm>> -> memref<80x128xi32, #tpu.memory_space<hbm>>
      %dma_wait3A_93 = arith.constant 0 : i32
      %dma_wait3A_94 = arith.constant 0 : i32
      %dma_wait3A_95 = tpu.memref_slice %arg4[%add3A, %dma_wait3A_93, %dma_wait3A_94] : memref<32x80x128xi32, #tpu.memory_space<hbm>> -> memref<1x80x128xi32, #tpu.memory_space<hbm>>
      %dma_wait3A_96 = tpu.memref_squeeze %dma_wait3A_95 : memref<1x80x128xi32, #tpu.memory_space<hbm>> -> memref<80x128xi32, #tpu.memory_space<hbm>>
      tpu.wait_dma2 semaphore(%run_scoped3A : memref<!tpu.dma_semaphore, #tpu.memory_space<semaphore_mem>>) src(%dma_wait3A_96 : memref<80x128xi32, #tpu.memory_space<hbm>>) dst(%arg8 : memref<80x128xi32, #tpu.memory_space<vmem>>)
      tpu.yield
    }) : () -> ()
    %mul3A_1 = arith.constant 640 : i32
    %mul3A_2 = arith.muli %arg1, %mul3A_1 : i32
    "tpu.region"() ({
      %run_scoped3A = tpu.sem_alloc : memref<!tpu.dma_semaphore, #tpu.memory_space<semaphore_mem>>
      %dma_start3A_81 = arith.constant 0 : i32
      %dma_start3A_82 = tpu.memref_slice %arg11[%mul3A_2, %dma_start3A_81] : memref<10240x128xf32, #tpu.memory_space<vmem_shared>> -> memref<640x128xf32, #tpu.memory_space<vmem_shared>>
      tpu.enqueue_dma source(%arg5 : memref<640x128xf32, #tpu.memory_space<hbm>>) target(%dma_start3A_82 : memref<640x128xf32, #tpu.memory_space<vmem_shared>>) target_semaphore(%run_scoped3A : memref<!tpu.dma_semaphore, #tpu.memory_space<semaphore_mem>>)
      %dma_wait3A_83 = arith.constant 0 : i32
      %dma_wait3A_84 = tpu.memref_slice %arg11[%mul3A_2, %dma_wait3A_83] : memref<10240x128xf32, #tpu.memory_space<vmem_shared>> -> memref<640x128xf32, #tpu.memory_space<vmem_shared>>
      tpu.wait_dma2 semaphore(%run_scoped3A : memref<!tpu.dma_semaphore, #tpu.memory_space<semaphore_mem>>) src(%arg5 : memref<640x128xf32, #tpu.memory_space<hbm>>) dst(%dma_wait3A_84 : memref<640x128xf32, #tpu.memory_space<vmem_shared>>)
      tpu.yield
    }) : () -> ()
    %barrier3A = arith.constant 0 : index
    tpu.barrier barrier_id(%barrier3A)
    %dma_start3A = arith.constant 0 : i32
    %dma_start3A_3 = arith.constant 0 : i32
    %dma_start3A_4 = arith.constant 0 : i32
    %dma_start3A_5 = tpu.memref_slice %arg7[%dma_start3A_3, %dma_start3A_4] : memref<2x128xi32, #tpu.memory_space<vmem>> -> memref<1x128xi32, #tpu.memory_space<vmem>>
    %dma_start3A_6 = tpu.memref_squeeze %dma_start3A_5 : memref<1x128xi32, #tpu.memory_space<vmem>> -> memref<128xi32, #tpu.memory_space<vmem>>
    %dma_start3A_7 = arith.constant 0 : i32
    %dma_start3A_8 = tpu.memref_slice %arg3[%add3A, %dma_start3A, %dma_start3A_7] : memref<32x80x128xi32, #tpu.memory_space<hbm>> -> memref<1x1x128xi32, #tpu.memory_space<hbm>>
    %dma_start3A_9 = tpu.memref_squeeze %dma_start3A_8 : memref<1x1x128xi32, #tpu.memory_space<hbm>> -> memref<128xi32, #tpu.memory_space<hbm>>
    %dma_start3A_10 = arith.constant 0 : i32
    %dma_start3A_11 = tpu.memref_slice %arg7[%dma_start3A_3, %dma_start3A_10] : memref<2x128xi32, #tpu.memory_space<vmem>> -> memref<1x128xi32, #tpu.memory_space<vmem>>
    %dma_start3A_12 = tpu.memref_squeeze %dma_start3A_11 : memref<1x128xi32, #tpu.memory_space<vmem>> -> memref<128xi32, #tpu.memory_space<vmem>>
    %dma_start3A_13 = arith.constant 0 : i32
    %dma_start3A_14 = tpu.memref_slice %arg3[%add3A, %dma_start3A, %dma_start3A_13] : memref<32x80x128xi32, #tpu.memory_space<hbm>> -> memref<1x1x128xi32, #tpu.memory_space<hbm>>
    %dma_start3A_15 = tpu.memref_squeeze %dma_start3A_14 : memref<1x1x128xi32, #tpu.memory_space<hbm>> -> memref<128xi32, #tpu.memory_space<hbm>>
    tpu.enqueue_dma source(%dma_start3A_15 : memref<128xi32, #tpu.memory_space<hbm>>) target(%dma_start3A_12 : memref<128xi32, #tpu.memory_space<vmem>>) target_semaphore(%arg12 : memref<!tpu.dma_semaphore, #tpu.memory_space<semaphore_mem>>)
    %dma_start3A_16 = arith.constant 1 : i32
    %dma_start3A_17 = arith.constant 1 : i32
    %dma_start3A_18 = arith.constant 0 : i32
    %dma_start3A_19 = tpu.memref_slice %arg7[%dma_start3A_17, %dma_start3A_18] : memref<2x128xi32, #tpu.memory_space<vmem>> -> memref<1x128xi32, #tpu.memory_space<vmem>>
    %dma_start3A_20 = tpu.memref_squeeze %dma_start3A_19 : memref<1x128xi32, #tpu.memory_space<vmem>> -> memref<128xi32, #tpu.memory_space<vmem>>
    %dma_start3A_21 = arith.constant 0 : i32
    %dma_start3A_22 = tpu.memref_slice %arg3[%add3A, %dma_start3A_16, %dma_start3A_21] : memref<32x80x128xi32, #tpu.memory_space<hbm>> -> memref<1x1x128xi32, #tpu.memory_space<hbm>>
    %dma_start3A_23 = tpu.memref_squeeze %dma_start3A_22 : memref<1x1x128xi32, #tpu.memory_space<hbm>> -> memref<128xi32, #tpu.memory_space<hbm>>
    %dma_start3A_24 = arith.constant 0 : i32
    %dma_start3A_25 = tpu.memref_slice %arg7[%dma_start3A_17, %dma_start3A_24] : memref<2x128xi32, #tpu.memory_space<vmem>> -> memref<1x128xi32, #tpu.memory_space<vmem>>
    %dma_start3A_26 = tpu.memref_squeeze %dma_start3A_25 : memref<1x128xi32, #tpu.memory_space<vmem>> -> memref<128xi32, #tpu.memory_space<vmem>>
    %dma_start3A_27 = arith.constant 0 : i32
    %dma_start3A_28 = tpu.memref_slice %arg3[%add3A, %dma_start3A_16, %dma_start3A_27] : memref<32x80x128xi32, #tpu.memory_space<hbm>> -> memref<1x1x128xi32, #tpu.memory_space<hbm>>
    %dma_start3A_29 = tpu.memref_squeeze %dma_start3A_28 : memref<1x1x128xi32, #tpu.memory_space<hbm>> -> memref<128xi32, #tpu.memory_space<hbm>>
    tpu.enqueue_dma source(%dma_start3A_29 : memref<128xi32, #tpu.memory_space<hbm>>) target(%dma_start3A_26 : memref<128xi32, #tpu.memory_space<vmem>>) target_semaphore(%arg13 : memref<!tpu.dma_semaphore, #tpu.memory_space<semaphore_mem>>)
    %dma_wait3A = arith.constant 0 : i32
    %dma_wait3A_30 = arith.constant 0 : i32
    %dma_wait3A_31 = arith.constant 0 : i32
    %dma_wait3A_32 = tpu.memref_slice %arg7[%dma_wait3A_30, %dma_wait3A_31] : memref<2x128xi32, #tpu.memory_space<vmem>> -> memref<1x128xi32, #tpu.memory_space<vmem>>
    %dma_wait3A_33 = tpu.memref_squeeze %dma_wait3A_32 : memref<1x128xi32, #tpu.memory_space<vmem>> -> memref<128xi32, #tpu.memory_space<vmem>>
    %dma_wait3A_34 = arith.constant 0 : i32
    %dma_wait3A_35 = tpu.memref_slice %arg3[%add3A, %dma_wait3A, %dma_wait3A_34] : memref<32x80x128xi32, #tpu.memory_space<hbm>> -> memref<1x1x128xi32, #tpu.memory_space<hbm>>
    %dma_wait3A_36 = tpu.memref_squeeze %dma_wait3A_35 : memref<1x1x128xi32, #tpu.memory_space<hbm>> -> memref<128xi32, #tpu.memory_space<hbm>>
    %dma_wait3A_37 = arith.constant 0 : i32
    %dma_wait3A_38 = tpu.memref_slice %arg7[%dma_wait3A_30, %dma_wait3A_37] : memref<2x128xi32, #tpu.memory_space<vmem>> -> memref<1x128xi32, #tpu.memory_space<vmem>>
    %dma_wait3A_39 = tpu.memref_squeeze %dma_wait3A_38 : memref<1x128xi32, #tpu.memory_space<vmem>> -> memref<128xi32, #tpu.memory_space<vmem>>
    %dma_wait3A_40 = arith.constant 0 : i32
    %dma_wait3A_41 = tpu.memref_slice %arg3[%add3A, %dma_wait3A, %dma_wait3A_40] : memref<32x80x128xi32, #tpu.memory_space<hbm>> -> memref<1x1x128xi32, #tpu.memory_space<hbm>>
    %dma_wait3A_42 = tpu.memref_squeeze %dma_wait3A_41 : memref<1x1x128xi32, #tpu.memory_space<hbm>> -> memref<128xi32, #tpu.memory_space<hbm>>
    tpu.wait_dma2 semaphore(%arg12 : memref<!tpu.dma_semaphore, #tpu.memory_space<semaphore_mem>>) src(%dma_wait3A_42 : memref<128xi32, #tpu.memory_space<hbm>>) dst(%dma_wait3A_39 : memref<128xi32, #tpu.memory_space<vmem>>)
    %dma_start3A_43 = arith.constant 0 : i32
    %dma_start3A_44 = arith.constant 0 : i32
    %dma_start3A_45 = tpu.memref_slice %arg7[%dma_start3A_43, %dma_start3A_44] : memref<2x128xi32, #tpu.memory_space<vmem>> -> memref<1x128xi32, #tpu.memory_space<vmem>>
    %dma_start3A_46 = tpu.memref_squeeze %dma_start3A_45 : memref<1x128xi32, #tpu.memory_space<vmem>> -> memref<128xi32, #tpu.memory_space<vmem>>
    %dma_start3A_47 = arith.constant 0 : i32
    %dma_start3A_48 = arith.constant 0 : i32
    %dma_start3A_49 = tpu.memref_slice %arg2[%dma_start3A_47, %dma_start3A_48] : memref<10000x128xf32, #tpu.memory_space<hbm>> -> memref<10000x128xf32, #tpu.memory_space<hbm>>
    tpu.enqueue_indirect_dma source(%dma_start3A_49 : memref<10000x128xf32, #tpu.memory_space<hbm>>) target(%arg9 : memref<128x128xf32, #tpu.memory_space<vmem>>) offsets(%dma_start3A_46 : memref<128xi32, #tpu.memory_space<vmem>>) semaphore(%arg14 : memref<!tpu.dma_semaphore, #tpu.memory_space<semaphore_mem>>)
    %dma_wait3A_50 = arith.constant 1 : i32
    %dma_wait3A_51 = arith.constant 1 : i32
    %dma_wait3A_52 = arith.constant 0 : i32
    %dma_wait3A_53 = tpu.memref_slice %arg7[%dma_wait3A_51, %dma_wait3A_52] : memref<2x128xi32, #tpu.memory_space<vmem>> -> memref<1x128xi32, #tpu.memory_space<vmem>>
    %dma_wait3A_54 = tpu.memref_squeeze %dma_wait3A_53 : memref<1x128xi32, #tpu.memory_space<vmem>> -> memref<128xi32, #tpu.memory_space<vmem>>
    %dma_wait3A_55 = arith.constant 0 : i32
    %dma_wait3A_56 = tpu.memref_slice %arg3[%add3A, %dma_wait3A_50, %dma_wait3A_55] : memref<32x80x128xi32, #tpu.memory_space<hbm>> -> memref<1x1x128xi32, #tpu.memory_space<hbm>>
    %dma_wait3A_57 = tpu.memref_squeeze %dma_wait3A_56 : memref<1x1x128xi32, #tpu.memory_space<hbm>> -> memref<128xi32, #tpu.memory_space<hbm>>
    %dma_wait3A_58 = arith.constant 0 : i32
    %dma_wait3A_59 = tpu.memref_slice %arg7[%dma_wait3A_51, %dma_wait3A_58] : memref<2x128xi32, #tpu.memory_space<vmem>> -> memref<1x128xi32, #tpu.memory_space<vmem>>
    %dma_wait3A_60 = tpu.memref_squeeze %dma_wait3A_59 : memref<1x128xi32, #tpu.memory_space<vmem>> -> memref<128xi32, #tpu.memory_space<vmem>>
    %dma_wait3A_61 = arith.constant 0 : i32
    %dma_wait3A_62 = tpu.memref_slice %arg3[%add3A, %dma_wait3A_50, %dma_wait3A_61] : memref<32x80x128xi32, #tpu.memory_space<hbm>> -> memref<1x1x128xi32, #tpu.memory_space<hbm>>
    %dma_wait3A_63 = tpu.memref_squeeze %dma_wait3A_62 : memref<1x1x128xi32, #tpu.memory_space<hbm>> -> memref<128xi32, #tpu.memory_space<hbm>>
    tpu.wait_dma2 semaphore(%arg13 : memref<!tpu.dma_semaphore, #tpu.memory_space<semaphore_mem>>) src(%dma_wait3A_63 : memref<128xi32, #tpu.memory_space<hbm>>) dst(%dma_wait3A_60 : memref<128xi32, #tpu.memory_space<vmem>>)
    %dma_start3A_64 = arith.constant 1 : i32
    %dma_start3A_65 = arith.constant 0 : i32
    %dma_start3A_66 = tpu.memref_slice %arg7[%dma_start3A_64, %dma_start3A_65] : memref<2x128xi32, #tpu.memory_space<vmem>> -> memref<1x128xi32, #tpu.memory_space<vmem>>
    %dma_start3A_67 = tpu.memref_squeeze %dma_start3A_66 : memref<1x128xi32, #tpu.memory_space<vmem>> -> memref<128xi32, #tpu.memory_space<vmem>>
    %dma_start3A_68 = arith.constant 0 : i32
    %dma_start3A_69 = arith.constant 0 : i32
    %dma_start3A_70 = tpu.memref_slice %arg2[%dma_start3A_68, %dma_start3A_69] : memref<10000x128xf32, #tpu.memory_space<hbm>> -> memref<10000x128xf32, #tpu.memory_space<hbm>>
    tpu.enqueue_indirect_dma source(%dma_start3A_70 : memref<10000x128xf32, #tpu.memory_space<hbm>>) target(%arg10 : memref<128x128xf32, #tpu.memory_space<vmem>>) offsets(%dma_start3A_67 : memref<128xi32, #tpu.memory_space<vmem>>) semaphore(%arg15 : memref<!tpu.dma_semaphore, #tpu.memory_space<semaphore_mem>>)
    %scan3A = arith.constant 0 : i32
    %scan3A_71 = arith.constant 0 : i32
    %scan3A_72 = arith.constant 40 : i32
    %scan3A_73 = arith.addi %scan3A_71, %scan3A_72 : i32
    %scan3A_74 = arith.constant 1 : i32
    scf.for %scan3A_81 = %scan3A_71 to %scan3A_73 step %scan3A_74  : i32 {
      %mul3A_82 = arith.constant 2 : i32
      %mul3A_83 = arith.muli %scan3A_81, %mul3A_82 : i32
      %add3A_84 = arith.constant 0 : i32
      %add3A_85 = arith.addi %mul3A_83, %add3A_84 : i32
      %dma_wait3A_86 = arith.constant 0 : i32
      %dma_wait3A_87 = arith.constant 0 : i32
      %dma_wait3A_88 = tpu.memref_slice %arg7[%dma_wait3A_86, %dma_wait3A_87] : memref<2x128xi32, #tpu.memory_space<vmem>> -> memref<1x128xi32, #tpu.memory_space<vmem>>
      %dma_wait3A_89 = tpu.memref_squeeze %dma_wait3A_88 : memref<1x128xi32, #tpu.memory_space<vmem>> -> memref<128xi32, #tpu.memory_space<vmem>>
      %dma_wait3A_90 = arith.constant 0 : i32
      %dma_wait3A_91 = arith.constant 0 : i32
      %dma_wait3A_92 = tpu.memref_slice %arg2[%dma_wait3A_90, %dma_wait3A_91] : memref<10000x128xf32, #tpu.memory_space<hbm>> -> memref<10000x128xf32, #tpu.memory_space<hbm>>
      tpu.wait_indirect_dma semaphore(%arg14 : memref<!tpu.dma_semaphore, #tpu.memory_space<semaphore_mem>>) src(%dma_wait3A_92 : memref<10000x128xf32, #tpu.memory_space<hbm>>) dst(%arg9 : memref<128x128xf32, #tpu.memory_space<vmem>>)
      %add3A_93 = arith.constant 2 : i32
      %add3A_94 = arith.addi %add3A_85, %add3A_93 : i32
      %lt3A = arith.constant 80 : i32
      %lt3A_95 = arith.cmpi slt, %add3A_94, %lt3A : i32
      %convert_element_type3A = arith.extui %lt3A_95 : i1 to i32
      %cond3A = arith.constant 0 : i32
      %cond3A_96 = arith.cmpi ne, %convert_element_type3A, %cond3A : i32
      scf.if %cond3A_96 {
        %add3A_155 = arith.constant 2 : i32
        %add3A_156 = arith.addi %add3A_85, %add3A_155 : i32
        %dma_start3A_157 = arith.constant 0 : i32
        %dma_start3A_158 = arith.constant 0 : i32
        %dma_start3A_159 = tpu.memref_slice %arg7[%dma_start3A_157, %dma_start3A_158] : memref<2x128xi32, #tpu.memory_space<vmem>> -> memref<1x128xi32, #tpu.memory_space<vmem>>
        %dma_start3A_160 = tpu.memref_squeeze %dma_start3A_159 : memref<1x128xi32, #tpu.memory_space<vmem>> -> memref<128xi32, #tpu.memory_space<vmem>>
        %dma_start3A_161 = arith.constant 0 : i32
        %dma_start3A_162 = tpu.memref_slice %arg3[%add3A, %add3A_156, %dma_start3A_161] : memref<32x80x128xi32, #tpu.memory_space<hbm>> -> memref<1x1x128xi32, #tpu.memory_space<hbm>>
        %dma_start3A_163 = tpu.memref_squeeze %dma_start3A_162 : memref<1x1x128xi32, #tpu.memory_space<hbm>> -> memref<128xi32, #tpu.memory_space<hbm>>
        %dma_start3A_164 = arith.constant 0 : i32
        %dma_start3A_165 = tpu.memref_slice %arg7[%dma_start3A_157, %dma_start3A_164] : memref<2x128xi32, #tpu.memory_space<vmem>> -> memref<1x128xi32, #tpu.memory_space<vmem>>
        %dma_start3A_166 = tpu.memref_squeeze %dma_start3A_165 : memref<1x128xi32, #tpu.memory_space<vmem>> -> memref<128xi32, #tpu.memory_space<vmem>>
        %dma_start3A_167 = arith.constant 0 : i32
        %dma_start3A_168 = tpu.memref_slice %arg3[%add3A, %add3A_156, %dma_start3A_167] : memref<32x80x128xi32, #tpu.memory_space<hbm>> -> memref<1x1x128xi32, #tpu.memory_space<hbm>>
        %dma_start3A_169 = tpu.memref_squeeze %dma_start3A_168 : memref<1x1x128xi32, #tpu.memory_space<hbm>> -> memref<128xi32, #tpu.memory_space<hbm>>
        tpu.enqueue_dma source(%dma_start3A_169 : memref<128xi32, #tpu.memory_space<hbm>>) target(%dma_start3A_166 : memref<128xi32, #tpu.memory_space<vmem>>) target_semaphore(%arg12 : memref<!tpu.dma_semaphore, #tpu.memory_space<semaphore_mem>>)
      } else {
      }
      %dma_start3A_97 = arith.constant 0 : i32
      %dma_start3A_98 = tpu.memref_slice %arg8[%add3A_85, %dma_start3A_97] : memref<80x128xi32, #tpu.memory_space<vmem>> -> memref<1x128xi32, #tpu.memory_space<vmem>>
      %dma_start3A_99 = tpu.memref_squeeze %dma_start3A_98 : memref<1x128xi32, #tpu.memory_space<vmem>> -> memref<128xi32, #tpu.memory_space<vmem>>
      %dma_start3A_100 = arith.constant 0 : i32
      %dma_start3A_101 = arith.constant 0 : i32
      %dma_start3A_102 = tpu.memref_slice %arg11[%dma_start3A_100, %dma_start3A_101] : memref<10240x128xf32, #tpu.memory_space<vmem_shared>> -> memref<10240x128xf32, #tpu.memory_space<vmem_shared>>
      tpu.enqueue_indirect_dma source(%arg9 : memref<128x128xf32, #tpu.memory_space<vmem>>) target(%dma_start3A_102 : memref<10240x128xf32, #tpu.memory_space<vmem_shared>>) offsets(%dma_start3A_99 : memref<128xi32, #tpu.memory_space<vmem>>) semaphore(%arg16 : memref<!tpu.dma_semaphore, #tpu.memory_space<semaphore_mem>>) {add = true}
      %add3A_103 = arith.constant 1 : i32
      %add3A_104 = arith.addi %mul3A_83, %add3A_103 : i32
      %dma_wait3A_105 = arith.constant 1 : i32
      %dma_wait3A_106 = arith.constant 0 : i32
      %dma_wait3A_107 = tpu.memref_slice %arg7[%dma_wait3A_105, %dma_wait3A_106] : memref<2x128xi32, #tpu.memory_space<vmem>> -> memref<1x128xi32, #tpu.memory_space<vmem>>
      %dma_wait3A_108 = tpu.memref_squeeze %dma_wait3A_107 : memref<1x128xi32, #tpu.memory_space<vmem>> -> memref<128xi32, #tpu.memory_space<vmem>>
      %dma_wait3A_109 = arith.constant 0 : i32
      %dma_wait3A_110 = arith.constant 0 : i32
      %dma_wait3A_111 = tpu.memref_slice %arg2[%dma_wait3A_109, %dma_wait3A_110] : memref<10000x128xf32, #tpu.memory_space<hbm>> -> memref<10000x128xf32, #tpu.memory_space<hbm>>
      tpu.wait_indirect_dma semaphore(%arg15 : memref<!tpu.dma_semaphore, #tpu.memory_space<semaphore_mem>>) src(%dma_wait3A_111 : memref<10000x128xf32, #tpu.memory_space<hbm>>) dst(%arg10 : memref<128x128xf32, #tpu.memory_space<vmem>>)
      %add3A_112 = arith.constant 2 : i32
      %add3A_113 = arith.addi %add3A_104, %add3A_112 : i32
      %lt3A_114 = arith.constant 80 : i32
      %lt3A_115 = arith.cmpi slt, %add3A_113, %lt3A_114 : i32
      %convert_element_type3A_116 = arith.extui %lt3A_115 : i1 to i32
      %cond3A_117 = arith.constant 0 : i32
      %cond3A_118 = arith.cmpi ne, %convert_element_type3A_116, %cond3A_117 : i32
      scf.if %cond3A_118 {
        %add3A_155 = arith.constant 2 : i32
        %add3A_156 = arith.addi %add3A_104, %add3A_155 : i32
        %dma_start3A_157 = arith.constant 1 : i32
        %dma_start3A_158 = arith.constant 0 : i32
        %dma_start3A_159 = tpu.memref_slice %arg7[%dma_start3A_157, %dma_start3A_158] : memref<2x128xi32, #tpu.memory_space<vmem>> -> memref<1x128xi32, #tpu.memory_space<vmem>>
        %dma_start3A_160 = tpu.memref_squeeze %dma_start3A_159 : memref<1x128xi32, #tpu.memory_space<vmem>> -> memref<128xi32, #tpu.memory_space<vmem>>
        %dma_start3A_161 = arith.constant 0 : i32
        %dma_start3A_162 = tpu.memref_slice %arg3[%add3A, %add3A_156, %dma_start3A_161] : memref<32x80x128xi32, #tpu.memory_space<hbm>> -> memref<1x1x128xi32, #tpu.memory_space<hbm>>
        %dma_start3A_163 = tpu.memref_squeeze %dma_start3A_162 : memref<1x1x128xi32, #tpu.memory_space<hbm>> -> memref<128xi32, #tpu.memory_space<hbm>>
        %dma_start3A_164 = arith.constant 0 : i32
        %dma_start3A_165 = tpu.memref_slice %arg7[%dma_start3A_157, %dma_start3A_164] : memref<2x128xi32, #tpu.memory_space<vmem>> -> memref<1x128xi32, #tpu.memory_space<vmem>>
        %dma_start3A_166 = tpu.memref_squeeze %dma_start3A_165 : memref<1x128xi32, #tpu.memory_space<vmem>> -> memref<128xi32, #tpu.memory_space<vmem>>
        %dma_start3A_167 = arith.constant 0 : i32
        %dma_start3A_168 = tpu.memref_slice %arg3[%add3A, %add3A_156, %dma_start3A_167] : memref<32x80x128xi32, #tpu.memory_space<hbm>> -> memref<1x1x128xi32, #tpu.memory_space<hbm>>
        %dma_start3A_169 = tpu.memref_squeeze %dma_start3A_168 : memref<1x1x128xi32, #tpu.memory_space<hbm>> -> memref<128xi32, #tpu.memory_space<hbm>>
        tpu.enqueue_dma source(%dma_start3A_169 : memref<128xi32, #tpu.memory_space<hbm>>) target(%dma_start3A_166 : memref<128xi32, #tpu.memory_space<vmem>>) target_semaphore(%arg13 : memref<!tpu.dma_semaphore, #tpu.memory_space<semaphore_mem>>)
      } else {
      }
      %dma_start3A_119 = arith.constant 0 : i32
      %dma_start3A_120 = tpu.memref_slice %arg8[%add3A_104, %dma_start3A_119] : memref<80x128xi32, #tpu.memory_space<vmem>> -> memref<1x128xi32, #tpu.memory_space<vmem>>
      %dma_start3A_121 = tpu.memref_squeeze %dma_start3A_120 : memref<1x128xi32, #tpu.memory_space<vmem>> -> memref<128xi32, #tpu.memory_space<vmem>>
      %dma_start3A_122 = arith.constant 0 : i32
      %dma_start3A_123 = arith.constant 0 : i32
      %dma_start3A_124 = tpu.memref_slice %arg11[%dma_start3A_122, %dma_start3A_123] : memref<10240x128xf32, #tpu.memory_space<vmem_shared>> -> memref<10240x128xf32, #tpu.memory_space<vmem_shared>>
      tpu.enqueue_indirect_dma source(%arg10 : memref<128x128xf32, #tpu.memory_space<vmem>>) target(%dma_start3A_124 : memref<10240x128xf32, #tpu.memory_space<vmem_shared>>) offsets(%dma_start3A_121 : memref<128xi32, #tpu.memory_space<vmem>>) semaphore(%arg17 : memref<!tpu.dma_semaphore, #tpu.memory_space<semaphore_mem>>) {add = true}
      %add3A_125 = arith.constant 0 : i32
      %add3A_126 = arith.addi %mul3A_83, %add3A_125 : i32
      %dma_wait3A_127 = arith.constant 0 : i32
      %dma_wait3A_128 = tpu.memref_slice %arg8[%add3A_126, %dma_wait3A_127] : memref<80x128xi32, #tpu.memory_space<vmem>> -> memref<1x128xi32, #tpu.memory_space<vmem>>
      %dma_wait3A_129 = tpu.memref_squeeze %dma_wait3A_128 : memref<1x128xi32, #tpu.memory_space<vmem>> -> memref<128xi32, #tpu.memory_space<vmem>>
      %dma_wait3A_130 = arith.constant 0 : i32
      %dma_wait3A_131 = arith.constant 0 : i32
      %dma_wait3A_132 = tpu.memref_slice %arg11[%dma_wait3A_130, %dma_wait3A_131] : memref<10240x128xf32, #tpu.memory_space<vmem_shared>> -> memref<10240x128xf32, #tpu.memory_space<vmem_shared>>
      tpu.wait_indirect_dma semaphore(%arg16 : memref<!tpu.dma_semaphore, #tpu.memory_space<semaphore_mem>>) src(%arg9 : memref<128x128xf32, #tpu.memory_space<vmem>>) dst(%dma_wait3A_132 : memref<10240x128xf32, #tpu.memory_space<vmem_shared>>)
      %add3A_133 = arith.constant 2 : i32
      %add3A_134 = arith.addi %add3A_126, %add3A_133 : i32
      %lt3A_135 = arith.constant 80 : i32
      %lt3A_136 = arith.cmpi slt, %add3A_134, %lt3A_135 : i32
      %convert_element_type3A_137 = arith.extui %lt3A_136 : i1 to i32
      %cond3A_138 = arith.constant 0 : i32
      %cond3A_139 = arith.cmpi ne, %convert_element_type3A_137, %cond3A_138 : i32
      scf.if %cond3A_139 {
        %add3A_155 = arith.constant 2 : i32
        %add3A_156 = arith.addi %add3A_126, %add3A_155 : i32
        %dma_wait3A_157 = arith.constant 0 : i32
        %dma_wait3A_158 = arith.constant 0 : i32
        %dma_wait3A_159 = tpu.memref_slice %arg7[%dma_wait3A_157, %dma_wait3A_158] : memref<2x128xi32, #tpu.memory_space<vmem>> -> memref<1x128xi32, #tpu.memory_space<vmem>>
        %dma_wait3A_160 = tpu.memref_squeeze %dma_wait3A_159 : memref<1x128xi32, #tpu.memory_space<vmem>> -> memref<128xi32, #tpu.memory_space<vmem>>
        %dma_wait3A_161 = arith.constant 0 : i32
        %dma_wait3A_162 = tpu.memref_slice %arg3[%add3A, %add3A_156, %dma_wait3A_161] : memref<32x80x128xi32, #tpu.memory_space<hbm>> -> memref<1x1x128xi32, #tpu.memory_space<hbm>>
        %dma_wait3A_163 = tpu.memref_squeeze %dma_wait3A_162 : memref<1x1x128xi32, #tpu.memory_space<hbm>> -> memref<128xi32, #tpu.memory_space<hbm>>
        %dma_wait3A_164 = arith.constant 0 : i32
        %dma_wait3A_165 = tpu.memref_slice %arg7[%dma_wait3A_157, %dma_wait3A_164] : memref<2x128xi32, #tpu.memory_space<vmem>> -> memref<1x128xi32, #tpu.memory_space<vmem>>
        %dma_wait3A_166 = tpu.memref_squeeze %dma_wait3A_165 : memref<1x128xi32, #tpu.memory_space<vmem>> -> memref<128xi32, #tpu.memory_space<vmem>>
        %dma_wait3A_167 = arith.constant 0 : i32
        %dma_wait3A_168 = tpu.memref_slice %arg3[%add3A, %add3A_156, %dma_wait3A_167] : memref<32x80x128xi32, #tpu.memory_space<hbm>> -> memref<1x1x128xi32, #tpu.memory_space<hbm>>
        %dma_wait3A_169 = tpu.memref_squeeze %dma_wait3A_168 : memref<1x1x128xi32, #tpu.memory_space<hbm>> -> memref<128xi32, #tpu.memory_space<hbm>>
        tpu.wait_dma2 semaphore(%arg12 : memref<!tpu.dma_semaphore, #tpu.memory_space<semaphore_mem>>) src(%dma_wait3A_169 : memref<128xi32, #tpu.memory_space<hbm>>) dst(%dma_wait3A_166 : memref<128xi32, #tpu.memory_space<vmem>>)
        %dma_start3A_170 = arith.constant 0 : i32
        %dma_start3A_171 = arith.constant 0 : i32
        %dma_start3A_172 = tpu.memref_slice %arg7[%dma_start3A_170, %dma_start3A_171] : memref<2x128xi32, #tpu.memory_space<vmem>> -> memref<1x128xi32, #tpu.memory_space<vmem>>
        %dma_start3A_173 = tpu.memref_squeeze %dma_start3A_172 : memref<1x128xi32, #tpu.memory_space<vmem>> -> memref<128xi32, #tpu.memory_space<vmem>>
        %dma_start3A_174 = arith.constant 0 : i32
        %dma_start3A_175 = arith.constant 0 : i32
        %dma_start3A_176 = tpu.memref_slice %arg2[%dma_start3A_174, %dma_start3A_175] : memref<10000x128xf32, #tpu.memory_space<hbm>> -> memref<10000x128xf32, #tpu.memory_space<hbm>>
        tpu.enqueue_indirect_dma source(%dma_start3A_176 : memref<10000x128xf32, #tpu.memory_space<hbm>>) target(%arg9 : memref<128x128xf32, #tpu.memory_space<vmem>>) offsets(%dma_start3A_173 : memref<128xi32, #tpu.memory_space<vmem>>) semaphore(%arg14 : memref<!tpu.dma_semaphore, #tpu.memory_space<semaphore_mem>>)
      } else {
      }
      %add3A_140 = arith.constant 1 : i32
      %add3A_141 = arith.addi %mul3A_83, %add3A_140 : i32
      %dma_wait3A_142 = arith.constant 0 : i32
      %dma_wait3A_143 = tpu.memref_slice %arg8[%add3A_141, %dma_wait3A_142] : memref<80x128xi32, #tpu.memory_space<vmem>> -> memref<1x128xi32, #tpu.memory_space<vmem>>
      %dma_wait3A_144 = tpu.memref_squeeze %dma_wait3A_143 : memref<1x128xi32, #tpu.memory_space<vmem>> -> memref<128xi32, #tpu.memory_space<vmem>>
      %dma_wait3A_145 = arith.constant 0 : i32
      %dma_wait3A_146 = arith.constant 0 : i32
      %dma_wait3A_147 = tpu.memref_slice %arg11[%dma_wait3A_145, %dma_wait3A_146] : memref<10240x128xf32, #tpu.memory_space<vmem_shared>> -> memref<10240x128xf32, #tpu.memory_space<vmem_shared>>
      tpu.wait_indirect_dma semaphore(%arg17 : memref<!tpu.dma_semaphore, #tpu.memory_space<semaphore_mem>>) src(%arg10 : memref<128x128xf32, #tpu.memory_space<vmem>>) dst(%dma_wait3A_147 : memref<10240x128xf32, #tpu.memory_space<vmem_shared>>)
      %add3A_148 = arith.constant 2 : i32
      %add3A_149 = arith.addi %add3A_141, %add3A_148 : i32
      %lt3A_150 = arith.constant 80 : i32
      %lt3A_151 = arith.cmpi slt, %add3A_149, %lt3A_150 : i32
      %convert_element_type3A_152 = arith.extui %lt3A_151 : i1 to i32
      %cond3A_153 = arith.constant 0 : i32
      %cond3A_154 = arith.cmpi ne, %convert_element_type3A_152, %cond3A_153 : i32
      scf.if %cond3A_154 {
        %add3A_155 = arith.constant 2 : i32
        %add3A_156 = arith.addi %add3A_141, %add3A_155 : i32
        %dma_wait3A_157 = arith.constant 1 : i32
        %dma_wait3A_158 = arith.constant 0 : i32
        %dma_wait3A_159 = tpu.memref_slice %arg7[%dma_wait3A_157, %dma_wait3A_158] : memref<2x128xi32, #tpu.memory_space<vmem>> -> memref<1x128xi32, #tpu.memory_space<vmem>>
        %dma_wait3A_160 = tpu.memref_squeeze %dma_wait3A_159 : memref<1x128xi32, #tpu.memory_space<vmem>> -> memref<128xi32, #tpu.memory_space<vmem>>
        %dma_wait3A_161 = arith.constant 0 : i32
        %dma_wait3A_162 = tpu.memref_slice %arg3[%add3A, %add3A_156, %dma_wait3A_161] : memref<32x80x128xi32, #tpu.memory_space<hbm>> -> memref<1x1x128xi32, #tpu.memory_space<hbm>>
        %dma_wait3A_163 = tpu.memref_squeeze %dma_wait3A_162 : memref<1x1x128xi32, #tpu.memory_space<hbm>> -> memref<128xi32, #tpu.memory_space<hbm>>
        %dma_wait3A_164 = arith.constant 0 : i32
        %dma_wait3A_165 = tpu.memref_slice %arg7[%dma_wait3A_157, %dma_wait3A_164] : memref<2x128xi32, #tpu.memory_space<vmem>> -> memref<1x128xi32, #tpu.memory_space<vmem>>
        %dma_wait3A_166 = tpu.memref_squeeze %dma_wait3A_165 : memref<1x128xi32, #tpu.memory_space<vmem>> -> memref<128xi32, #tpu.memory_space<vmem>>
        %dma_wait3A_167 = arith.constant 0 : i32
        %dma_wait3A_168 = tpu.memref_slice %arg3[%add3A, %add3A_156, %dma_wait3A_167] : memref<32x80x128xi32, #tpu.memory_space<hbm>> -> memref<1x1x128xi32, #tpu.memory_space<hbm>>
        %dma_wait3A_169 = tpu.memref_squeeze %dma_wait3A_168 : memref<1x1x128xi32, #tpu.memory_space<hbm>> -> memref<128xi32, #tpu.memory_space<hbm>>
        tpu.wait_dma2 semaphore(%arg13 : memref<!tpu.dma_semaphore, #tpu.memory_space<semaphore_mem>>) src(%dma_wait3A_169 : memref<128xi32, #tpu.memory_space<hbm>>) dst(%dma_wait3A_166 : memref<128xi32, #tpu.memory_space<vmem>>)
        %dma_start3A_170 = arith.constant 1 : i32
        %dma_start3A_171 = arith.constant 0 : i32
        %dma_start3A_172 = tpu.memref_slice %arg7[%dma_start3A_170, %dma_start3A_171] : memref<2x128xi32, #tpu.memory_space<vmem>> -> memref<1x128xi32, #tpu.memory_space<vmem>>
        %dma_start3A_173 = tpu.memref_squeeze %dma_start3A_172 : memref<1x128xi32, #tpu.memory_space<vmem>> -> memref<128xi32, #tpu.memory_space<vmem>>
        %dma_start3A_174 = arith.constant 0 : i32
        %dma_start3A_175 = arith.constant 0 : i32
        %dma_start3A_176 = tpu.memref_slice %arg2[%dma_start3A_174, %dma_start3A_175] : memref<10000x128xf32, #tpu.memory_space<hbm>> -> memref<10000x128xf32, #tpu.memory_space<hbm>>
        tpu.enqueue_indirect_dma source(%dma_start3A_176 : memref<10000x128xf32, #tpu.memory_space<hbm>>) target(%arg10 : memref<128x128xf32, #tpu.memory_space<vmem>>) offsets(%dma_start3A_173 : memref<128xi32, #tpu.memory_space<vmem>>) semaphore(%arg15 : memref<!tpu.dma_semaphore, #tpu.memory_space<semaphore_mem>>)
      } else {
      }
    }
    %scan3A_75 = arith.constant 40 : i32
    %barrier3A_76 = arith.constant 0 : index
    tpu.barrier barrier_id(%barrier3A_76)
    %mul3A_77 = arith.constant 640 : i32
    %mul3A_78 = arith.muli %arg1, %mul3A_77 : i32
    %mul3A_79 = arith.constant 640 : i32
    %mul3A_80 = arith.muli %arg1, %mul3A_79 : i32
    "tpu.region"() ({
      %run_scoped3A = tpu.sem_alloc : memref<!tpu.dma_semaphore, #tpu.memory_space<semaphore_mem>>
      %dma_start3A_81 = arith.constant 0 : i32
      %dma_start3A_82 = tpu.memref_slice %arg6[%arg0, %mul3A_80, %dma_start3A_81] : memref<2x10240x128xf32, #tpu.memory_space<hbm>> -> memref<1x640x128xf32, #tpu.memory_space<hbm>>
      %dma_start3A_83 = tpu.memref_squeeze %dma_start3A_82 : memref<1x640x128xf32, #tpu.memory_space<hbm>> -> memref<640x128xf32, #tpu.memory_space<hbm>>
      %dma_start3A_84 = arith.constant 0 : i32
      %dma_start3A_85 = tpu.memref_slice %arg11[%mul3A_78, %dma_start3A_84] : memref<10240x128xf32, #tpu.memory_space<vmem_shared>> -> memref<640x128xf32, #tpu.memory_space<vmem_shared>>
      tpu.enqueue_dma source(%dma_start3A_85 : memref<640x128xf32, #tpu.memory_space<vmem_shared>>) target(%dma_start3A_83 : memref<640x128xf32, #tpu.memory_space<hbm>>) target_semaphore(%run_scoped3A : memref<!tpu.dma_semaphore, #tpu.memory_space<semaphore_mem>>)
      %dma_wait3A_86 = arith.constant 0 : i32
      %dma_wait3A_87 = tpu.memref_slice %arg6[%arg0, %mul3A_80, %dma_wait3A_86] : memref<2x10240x128xf32, #tpu.memory_space<hbm>> -> memref<1x640x128xf32, #tpu.memory_space<hbm>>
      %dma_wait3A_88 = tpu.memref_squeeze %dma_wait3A_87 : memref<1x640x128xf32, #tpu.memory_space<hbm>> -> memref<640x128xf32, #tpu.memory_space<hbm>>
      %dma_wait3A_89 = arith.constant 0 : i32
      %dma_wait3A_90 = tpu.memref_slice %arg11[%mul3A_78, %dma_wait3A_89] : memref<10240x128xf32, #tpu.memory_space<vmem_shared>> -> memref<640x128xf32, #tpu.memory_space<vmem_shared>>
      tpu.wait_dma2 semaphore(%run_scoped3A : memref<!tpu.dma_semaphore, #tpu.memory_space<semaphore_mem>>) src(%dma_wait3A_90 : memref<640x128xf32, #tpu.memory_space<vmem_shared>>) dst(%dma_wait3A_88 : memref<640x128xf32, #tpu.memory_space<hbm>>)
      tpu.yield
    }) : () -> ()
    return
  }
}

module attributes {stable_mosaic.version = 14 : i64} {
  func.func @_prep_body(%arg0: i32, %arg1: memref<2000x128xf32, #tpu.memory_space<vmem>>, %arg2: memref<128x128xf32, #tpu.memory_space<vmem>>, %arg3: memref<2000x16xf32, #tpu.memory_space<vmem>>, %arg4: memref<2000x16xf32, #tpu.memory_space<vmem>>, %arg5: memref<2000x128xf32, #tpu.memory_space<vmem>>) attributes {dimension_semantics = [#tpu.dimension_semantics<arbitrary>], iteration_bounds = array<i64: 5>, scalar_prefetch = 0 : i64, scratch_operands = 0 : i64, tpu.core_type = #tpu.core_type<tc>, window_params = [{transform_indices = @transform_0, window_bounds = array<i64: 2000, 128>}, {pipeline_mode = #tpu.pipeline_mode<synchronous>, transform_indices = @transform_1, window_bounds = array<i64: 128, 128>}, {transform_indices = @transform_2, window_bounds = array<i64: 2000, 16>}, {transform_indices = @transform_3, window_bounds = array<i64: 2000, 16>}, {transform_indices = @transform_4, window_bounds = array<i64: 2000, 128>}]} {
    %get3A = arith.constant 0 : index
    %get3A_0 = arith.constant 0 : index
    %get3A_1 = vector.load %arg1[%get3A, %get3A_0] : memref<2000x128xf32, #tpu.memory_space<vmem>>, vector<2000x128xf32>
    %get3A_2 = arith.constant 0 : index
    %get3A_3 = arith.constant 0 : index
    %get3A_4 = vector.load %arg2[%get3A_2, %get3A_3] : memref<128x128xf32, #tpu.memory_space<vmem>>, vector<128x128xf32>
    %dot_general3A = arith.constant dense<0.000000e+00> : vector<2000x128xf32>
    %dot_general3A_5 = tpu.matmul %get3A_1, %get3A_4, %dot_general3A {dimension_numbers = #tpu.dot_dimension_numbers<[1], [0], [0], [1], [0, 0, 1, 1], [], []>, transpose_lhs_hint = false} : vector<2000x128xf32>, vector<128x128xf32>, vector<2000x128xf32> -> vector<2000x128xf32>
    %get3A_6 = arith.constant 0 : index
    %get3A_7 = arith.constant 0 : index
    %get3A_8 = vector.load %arg3[%get3A_6, %get3A_7] : memref<2000x16xf32, #tpu.memory_space<vmem>>, vector<2000x16xf32>
    %get3A_9 = arith.constant 0 : index
    %get3A_10 = arith.constant 0 : index
    %get3A_11 = vector.load %arg4[%get3A_9, %get3A_10] : memref<2000x16xf32, #tpu.memory_space<vmem>>, vector<2000x16xf32>
    %slice3A = vector.extract_strided_slice %get3A_8 {offsets = [0, 0], sizes = [2000, 1], strides = [1, 1]} : vector<2000x16xf32> to vector<2000x1xf32>
    %slice3A_12 = vector.extract_strided_slice %get3A_11 {offsets = [0, 0], sizes = [2000, 1], strides = [1, 1]} : vector<2000x16xf32> to vector<2000x1xf32>
    %add3A = arith.addf %slice3A, %slice3A_12 : vector<2000x1xf32>
    %add3A_13 = arith.constant 1.000000e+00 : f32
    %add3A_14 = vector.broadcast %add3A_13 : f32 to vector<2000x1xf32>
    %add3A_15 = arith.addf %add3A, %add3A_14 : vector<2000x1xf32>
    %rsqrt3A = math.rsqrt %add3A_15 : vector<2000x1xf32>
    %mul3A = vector.broadcast %rsqrt3A : vector<2000x1xf32> to vector<2000x128xf32>
    %mul3A_16 = arith.mulf %dot_general3A_5, %mul3A : vector<2000x128xf32>
    %swap3A = arith.constant 0 : index
    %swap3A_17 = arith.constant 0 : index
    %swap3A_18 = vector.load %arg5[%swap3A, %swap3A_17] : memref<2000x128xf32, #tpu.memory_space<vmem>>, vector<2000x128xf32>
    tpu.vector_store %arg5[%swap3A, %swap3A_17], %mul3A_16 {strides = array<i32>} : memref<2000x128xf32, #tpu.memory_space<vmem>>, vector<2000x128xf32>,
    return
  }
  func.func @transform_0(%arg0: i32) -> (i32, i32) {
    %c0_i32 = arith.constant 0 : i32
    %c0_i32_0 = arith.constant 0 : i32
    return %arg0, %c0_i32 : i32, i32
  }
  func.func @transform_1(%arg0: i32) -> (i32, i32) {
    %c0_i32 = arith.constant 0 : i32
    %c0_i32_0 = arith.constant 0 : i32
    %c0_i32_1 = arith.constant 0 : i32
    return %c0_i32, %c0_i32_0 : i32, i32
  }
  func.func @transform_2(%arg0: i32) -> (i32, i32) {
    %c0_i32 = arith.constant 0 : i32
    %c0_i32_0 = arith.constant 0 : i32
    return %arg0, %c0_i32 : i32, i32
  }
  func.func @transform_3(%arg0: i32) -> (i32, i32) {
    %c0_i32 = arith.constant 0 : i32
    %c0_i32_0 = arith.constant 0 : i32
    return %arg0, %c0_i32 : i32, i32
  }
  func.func @transform_4(%arg0: i32) -> (i32, i32) {
    %c0_i32 = arith.constant 0 : i32
    %c0_i32_0 = arith.constant 0 : i32
    return %arg0, %c0_i32 : i32, i32
  }
}

module attributes {stable_mosaic.version = 14 : i64} {
  func.func @_layer2_body(%arg0: i32, %arg1: memref<2000x128xf32, #tpu.memory_space<vmem>>, %arg2: memref<2000x128xf32, #tpu.memory_space<vmem>>, %arg3: memref<2000x128xf32, #tpu.memory_space<vmem>>, %arg4: memref<2000x16xf32, #tpu.memory_space<vmem>>, %arg5: memref<2000x16xf32, #tpu.memory_space<vmem>>, %arg6: memref<1x128xf32, #tpu.memory_space<vmem>>, %arg7: memref<128x128xf32, #tpu.memory_space<vmem>>, %arg8: memref<2000x128xf32, #tpu.memory_space<vmem>>) attributes {dimension_semantics = [#tpu.dimension_semantics<arbitrary>], iteration_bounds = array<i64: 5>, scalar_prefetch = 0 : i64, scratch_operands = 0 : i64, tpu.core_type = #tpu.core_type<tc>, window_params = [{transform_indices = @transform_0, window_bounds = array<i64: 2000, 128>}, {transform_indices = @transform_1, window_bounds = array<i64: 2000, 128>}, {transform_indices = @transform_2, window_bounds = array<i64: 2000, 128>}, {transform_indices = @transform_3, window_bounds = array<i64: 2000, 16>}, {transform_indices = @transform_4, window_bounds = array<i64: 2000, 16>}, {pipeline_mode = #tpu.pipeline_mode<synchronous>, transform_indices = @transform_5, window_bounds = array<i64: 1, 128>}, {pipeline_mode = #tpu.pipeline_mode<synchronous>, transform_indices = @transform_6, window_bounds = array<i64: 128, 128>}, {transform_indices = @transform_7, window_bounds = array<i64: 2000, 128>}]} {
    %get3A = arith.constant 0 : index
    %get3A_0 = arith.constant 0 : index
    %get3A_1 = vector.load %arg4[%get3A, %get3A_0] : memref<2000x16xf32, #tpu.memory_space<vmem>>, vector<2000x16xf32>
    %get3A_2 = arith.constant 0 : index
    %get3A_3 = arith.constant 0 : index
    %get3A_4 = vector.load %arg5[%get3A_2, %get3A_3] : memref<2000x16xf32, #tpu.memory_space<vmem>>, vector<2000x16xf32>
    %slice3A = vector.extract_strided_slice %get3A_1 {offsets = [0, 0], sizes = [2000, 1], strides = [1, 1]} : vector<2000x16xf32> to vector<2000x1xf32>
    %slice3A_5 = vector.extract_strided_slice %get3A_4 {offsets = [0, 0], sizes = [2000, 1], strides = [1, 1]} : vector<2000x16xf32> to vector<2000x1xf32>
    %add3A = arith.addf %slice3A, %slice3A_5 : vector<2000x1xf32>
    %add3A_6 = arith.constant 1.000000e+00 : f32
    %add3A_7 = vector.broadcast %add3A_6 : f32 to vector<2000x1xf32>
    %add3A_8 = arith.addf %add3A, %add3A_7 : vector<2000x1xf32>
    %rsqrt3A = math.rsqrt %add3A_8 : vector<2000x1xf32>
    %get3A_9 = arith.constant 0 : index
    %get3A_10 = arith.constant 0 : index
    %get3A_11 = vector.load %arg1[%get3A_9, %get3A_10] : memref<2000x128xf32, #tpu.memory_space<vmem>>, vector<2000x128xf32>
    %get3A_12 = arith.constant 0 : index
    %get3A_13 = arith.constant 0 : index
    %get3A_14 = vector.load %arg2[%get3A_12, %get3A_13] : memref<2000x128xf32, #tpu.memory_space<vmem>>, vector<2000x128xf32>
    %add3A_15 = arith.addf %get3A_11, %get3A_14 : vector<2000x128xf32>
    %get3A_16 = arith.constant 0 : index
    %get3A_17 = arith.constant 0 : index
    %get3A_18 = vector.load %arg3[%get3A_16, %get3A_17] : memref<2000x128xf32, #tpu.memory_space<vmem>>, vector<2000x128xf32>
    %add3A_19 = arith.addf %add3A_15, %get3A_18 : vector<2000x128xf32>
    %mul3A = vector.broadcast %rsqrt3A : vector<2000x1xf32> to vector<2000x128xf32>
    %mul3A_20 = arith.mulf %mul3A, %add3A_19 : vector<2000x128xf32>
    %get3A_21 = arith.constant 0 : index
    %get3A_22 = arith.constant 0 : index
    %get3A_23 = vector.load %arg6[%get3A_21, %get3A_22] : memref<1x128xf32, #tpu.memory_space<vmem>>, vector<1x128xf32>
    %add3A_24 = vector.broadcast %get3A_23 : vector<1x128xf32> to vector<2000x128xf32>
    %add3A_25 = arith.addf %mul3A_20, %add3A_24 : vector<2000x128xf32>
    %max3A = arith.constant 0.000000e+00 : f32
    %max3A_26 = vector.broadcast %max3A : f32 to vector<2000x128xf32>
    %max3A_27 = arith.maximumf %add3A_25, %max3A_26 : vector<2000x128xf32>
    %get3A_28 = arith.constant 0 : index
    %get3A_29 = arith.constant 0 : index
    %get3A_30 = vector.load %arg7[%get3A_28, %get3A_29] : memref<128x128xf32, #tpu.memory_space<vmem>>, vector<128x128xf32>
    %dot_general3A = arith.constant dense<0.000000e+00> : vector<2000x128xf32>
    %dot_general3A_31 = tpu.matmul %max3A_27, %get3A_30, %dot_general3A {dimension_numbers = #tpu.dot_dimension_numbers<[1], [0], [0], [1], [0, 0, 1, 1], [], []>, transpose_lhs_hint = false} : vector<2000x128xf32>, vector<128x128xf32>, vector<2000x128xf32> -> vector<2000x128xf32>
    %mul3A_32 = vector.broadcast %rsqrt3A : vector<2000x1xf32> to vector<2000x128xf32>
    %mul3A_33 = arith.mulf %mul3A_32, %dot_general3A_31 : vector<2000x128xf32>
    %swap3A = arith.constant 0 : index
    %swap3A_34 = arith.constant 0 : index
    %swap3A_35 = vector.load %arg8[%swap3A, %swap3A_34] : memref<2000x128xf32, #tpu.memory_space<vmem>>, vector<2000x128xf32>
    tpu.vector_store %arg8[%swap3A, %swap3A_34], %mul3A_33 {strides = array<i32>} : memref<2000x128xf32, #tpu.memory_space<vmem>>, vector<2000x128xf32>,
    return
  }
  func.func @transform_0(%arg0: i32) -> (i32, i32) {
    %c0_i32 = arith.constant 0 : i32
    %c0_i32_0 = arith.constant 0 : i32
    return %arg0, %c0_i32 : i32, i32
  }
  func.func @transform_1(%arg0: i32) -> (i32, i32) {
    %c0_i32 = arith.constant 0 : i32
    %c0_i32_0 = arith.constant 0 : i32
    return %arg0, %c0_i32 : i32, i32
  }
  func.func @transform_2(%arg0: i32) -> (i32, i32) {
    %c0_i32 = arith.constant 0 : i32
    %c0_i32_0 = arith.constant 0 : i32
    return %arg0, %c0_i32 : i32, i32
  }
  func.func @transform_3(%arg0: i32) -> (i32, i32) {
    %c0_i32 = arith.constant 0 : i32
    %c0_i32_0 = arith.constant 0 : i32
    return %arg0, %c0_i32 : i32, i32
  }
  func.func @transform_4(%arg0: i32) -> (i32, i32) {
    %c0_i32 = arith.constant 0 : i32
    %c0_i32_0 = arith.constant 0 : i32
    return %arg0, %c0_i32 : i32, i32
  }
  func.func @transform_5(%arg0: i32) -> (i32, i32) {
    %c0_i32 = arith.constant 0 : i32
    %c0_i32_0 = arith.constant 0 : i32
    %c0_i32_1 = arith.constant 0 : i32
    return %c0_i32, %c0_i32_0 : i32, i32
  }
  func.func @transform_6(%arg0: i32) -> (i32, i32) {
    %c0_i32 = arith.constant 0 : i32
    %c0_i32_0 = arith.constant 0 : i32
    %c0_i32_1 = arith.constant 0 : i32
    return %c0_i32, %c0_i32_0 : i32, i32
  }
  func.func @transform_7(%arg0: i32) -> (i32, i32) {
    %c0_i32 = arith.constant 0 : i32
    %c0_i32_0 = arith.constant 0 : i32
    return %arg0, %c0_i32 : i32, i32
  }
}

module attributes {stable_mosaic.version = 14 : i64} {
  func.func @_final_body(%arg0: i32, %arg1: memref<2000x128xf32, #tpu.memory_space<vmem>>, %arg2: memref<2000x128xf32, #tpu.memory_space<vmem>>, %arg3: memref<2000x128xf32, #tpu.memory_space<vmem>>, %arg4: memref<2000x16xf32, #tpu.memory_space<vmem>>, %arg5: memref<2000x16xf32, #tpu.memory_space<vmem>>, %arg6: memref<1x128xf32, #tpu.memory_space<vmem>>, %arg7: memref<1x1x2000xi32, #tpu.memory_space<vmem>>, %arg8: memref<128x10xf32, #tpu.memory_space<vmem>>, %arg9: memref<1x10xf32, #tpu.memory_space<vmem>>, %arg10: memref<64x10xf32, #tpu.memory_space<vmem>>, %arg11: memref<64x128xf32, #tpu.memory_space<vmem>>, %arg12: memref<64x128xf32, #tpu.memory_space<vmem>>) attributes {dimension_semantics = [#tpu.dimension_semantics<arbitrary>], iteration_bounds = array<i64: 5>, scalar_prefetch = 0 : i64, scratch_operands = 2 : i64, tpu.core_type = #tpu.core_type<tc>, window_params = [{transform_indices = @transform_0, window_bounds = array<i64: 2000, 128>}, {transform_indices = @transform_1, window_bounds = array<i64: 2000, 128>}, {transform_indices = @transform_2, window_bounds = array<i64: 2000, 128>}, {transform_indices = @transform_3, window_bounds = array<i64: 2000, 16>}, {transform_indices = @transform_4, window_bounds = array<i64: 2000, 16>}, {pipeline_mode = #tpu.pipeline_mode<synchronous>, transform_indices = @transform_5, window_bounds = array<i64: 1, 128>}, {transform_indices = @transform_6, window_bounds = array<i64: 1, 1, 2000>}, {pipeline_mode = #tpu.pipeline_mode<synchronous>, transform_indices = @transform_7, window_bounds = array<i64: 128, 10>}, {pipeline_mode = #tpu.pipeline_mode<synchronous>, transform_indices = @transform_8, window_bounds = array<i64: 1, 10>}, {pipeline_mode = #tpu.pipeline_mode<synchronous>, transform_indices = @transform_9, window_bounds = array<i64: 64, 10>}]} {
    %eq3A = arith.constant 0 : i32
    %eq3A_0 = arith.cmpi eq, %arg0, %eq3A : i32
    %convert_element_type3A = arith.extui %eq3A_0 : i1 to i32
    %cond3A = arith.constant 0 : i32
    %cond3A_1 = arith.cmpi ne, %convert_element_type3A, %cond3A : i32
    scf.if %cond3A_1 {
      %broadcast_in_dim3A_60 = arith.constant 0.000000e+00 : f32
      %broadcast_in_dim3A_61 = vector.broadcast %broadcast_in_dim3A_60 : f32 to vector<64x128xf32>
      %swap3A_62 = arith.constant 0 : index
      %swap3A_63 = arith.constant 0 : index
      %swap3A_64 = vector.load %arg11[%swap3A_62, %swap3A_63] : memref<64x128xf32, #tpu.memory_space<vmem>>, vector<64x128xf32>
      tpu.vector_store %arg11[%swap3A_62, %swap3A_63], %broadcast_in_dim3A_61 {strides = array<i32>} : memref<64x128xf32, #tpu.memory_space<vmem>>, vector<64x128xf32>,
      %broadcast_in_dim3A_65 = arith.constant 0.000000e+00 : f32
      %broadcast_in_dim3A_66 = vector.broadcast %broadcast_in_dim3A_65 : f32 to vector<64x128xf32>
      %swap3A_67 = arith.constant 0 : index
      %swap3A_68 = arith.constant 0 : index
      %swap3A_69 = vector.load %arg12[%swap3A_67, %swap3A_68] : memref<64x128xf32, #tpu.memory_space<vmem>>, vector<64x128xf32>
      tpu.vector_store %arg12[%swap3A_67, %swap3A_68], %broadcast_in_dim3A_66 {strides = array<i32>} : memref<64x128xf32, #tpu.memory_space<vmem>>, vector<64x128xf32>,
    } else {
    }
    %get3A = arith.constant 0 : index
    %get3A_2 = arith.constant 0 : index
    %get3A_3 = vector.load %arg4[%get3A, %get3A_2] : memref<2000x16xf32, #tpu.memory_space<vmem>>, vector<2000x16xf32>
    %get3A_4 = arith.constant 0 : index
    %get3A_5 = arith.constant 0 : index
    %get3A_6 = vector.load %arg5[%get3A_4, %get3A_5] : memref<2000x16xf32, #tpu.memory_space<vmem>>, vector<2000x16xf32>
    %slice3A = vector.extract_strided_slice %get3A_3 {offsets = [0, 0], sizes = [2000, 1], strides = [1, 1]} : vector<2000x16xf32> to vector<2000x1xf32>
    %slice3A_7 = vector.extract_strided_slice %get3A_6 {offsets = [0, 0], sizes = [2000, 1], strides = [1, 1]} : vector<2000x16xf32> to vector<2000x1xf32>
    %add3A = arith.addf %slice3A, %slice3A_7 : vector<2000x1xf32>
    %add3A_8 = arith.constant 1.000000e+00 : f32
    %add3A_9 = vector.broadcast %add3A_8 : f32 to vector<2000x1xf32>
    %add3A_10 = arith.addf %add3A, %add3A_9 : vector<2000x1xf32>
    %rsqrt3A = math.rsqrt %add3A_10 : vector<2000x1xf32>
    %get3A_11 = arith.constant 0 : index
    %get3A_12 = arith.constant 0 : index
    %get3A_13 = vector.load %arg1[%get3A_11, %get3A_12] : memref<2000x128xf32, #tpu.memory_space<vmem>>, vector<2000x128xf32>
    %get3A_14 = arith.constant 0 : index
    %get3A_15 = arith.constant 0 : index
    %get3A_16 = vector.load %arg2[%get3A_14, %get3A_15] : memref<2000x128xf32, #tpu.memory_space<vmem>>, vector<2000x128xf32>
    %add3A_17 = arith.addf %get3A_13, %get3A_16 : vector<2000x128xf32>
    %get3A_18 = arith.constant 0 : index
    %get3A_19 = arith.constant 0 : index
    %get3A_20 = vector.load %arg3[%get3A_18, %get3A_19] : memref<2000x128xf32, #tpu.memory_space<vmem>>, vector<2000x128xf32>
    %add3A_21 = arith.addf %add3A_17, %get3A_20 : vector<2000x128xf32>
    %mul3A = vector.broadcast %rsqrt3A : vector<2000x1xf32> to vector<2000x128xf32>
    %mul3A_22 = arith.mulf %mul3A, %add3A_21 : vector<2000x128xf32>
    %get3A_23 = arith.constant 0 : index
    %get3A_24 = arith.constant 0 : index
    %get3A_25 = vector.load %arg6[%get3A_23, %get3A_24] : memref<1x128xf32, #tpu.memory_space<vmem>>, vector<1x128xf32>
    %add3A_26 = vector.broadcast %get3A_25 : vector<1x128xf32> to vector<2000x128xf32>
    %add3A_27 = arith.addf %mul3A_22, %add3A_26 : vector<2000x128xf32>
    %get3A_28 = arith.constant 0 : index
    %get3A_29 = arith.constant 0 : index
    %get3A_30 = arith.constant 0 : index
    %get3A_31 = vector.load %arg7[%get3A_28, %get3A_29, %get3A_30] : memref<1x1x2000xi32, #tpu.memory_space<vmem>>, vector<1x1x2000xi32>
    %get3A_32 = vector.shape_cast %get3A_31 : vector<1x1x2000xi32> to vector<2000xi32>
    %iota3A = tpu.iota {dimensions = array<i32: 0>} : vector<64x2000xi32>
    %broadcast_in_dim3A = vector.shape_cast %get3A_32 : vector<2000xi32> to vector<1x2000xi32>
    %eq3A_33 = vector.broadcast %broadcast_in_dim3A : vector<1x2000xi32> to vector<64x2000xi32>
    %eq3A_34 = arith.cmpi eq, %iota3A, %eq3A_33 : vector<64x2000xi32>
    %convert_element_type3A_35 = arith.extui %eq3A_34 : vector<64x2000xi1> to vector<64x2000xi32>
    %convert_element_type3A_36 = arith.sitofp %convert_element_type3A_35 : vector<64x2000xi32> to vector<64x2000xf32>
    %get3A_37 = arith.constant 0 : index
    %get3A_38 = arith.constant 0 : index
    %get3A_39 = vector.load %arg11[%get3A_37, %get3A_38] : memref<64x128xf32, #tpu.memory_space<vmem>>, vector<64x128xf32>
    %dot_general3A = arith.constant dense<0.000000e+00> : vector<64x128xf32>
    %dot_general3A_40 = tpu.matmul %convert_element_type3A_36, %add3A_27, %dot_general3A {dimension_numbers = #tpu.dot_dimension_numbers<[1], [0], [0], [1], [0, 0, 1, 1], [], []>, transpose_lhs_hint = false} : vector<64x2000xf32>, vector<2000x128xf32>, vector<64x128xf32> -> vector<64x128xf32>
    %add3A_41 = arith.addf %get3A_39, %dot_general3A_40 : vector<64x128xf32>
    %swap3A = arith.constant 0 : index
    %swap3A_42 = arith.constant 0 : index
    %swap3A_43 = vector.load %arg11[%swap3A, %swap3A_42] : memref<64x128xf32, #tpu.memory_space<vmem>>, vector<64x128xf32>
    tpu.vector_store %arg11[%swap3A, %swap3A_42], %add3A_41 {strides = array<i32>} : memref<64x128xf32, #tpu.memory_space<vmem>>, vector<64x128xf32>,
    %get3A_44 = arith.constant 0 : index
    %get3A_45 = arith.constant 0 : index
    %get3A_46 = vector.load %arg12[%get3A_44, %get3A_45] : memref<64x128xf32, #tpu.memory_space<vmem>>, vector<64x128xf32>
    %reduce_sum3A = arith.constant dense<0.000000e+00> : vector<64xf32>
    %reduce_sum3A_47 = vector.multi_reduction <add>, %convert_element_type3A_36, %reduce_sum3A [1] : vector<64x2000xf32> to vector<64xf32>
    %broadcast_in_dim3A_48 = vector.shape_cast %reduce_sum3A_47 : vector<64xf32> to vector<64x1xf32>
    %broadcast_in_dim3A_49 = vector.shape_cast %broadcast_in_dim3A_48 : vector<64x1xf32> to vector<64x1xf32>
    %broadcast_in_dim3A_50 = vector.broadcast %broadcast_in_dim3A_49 : vector<64x1xf32> to vector<64x128xf32>
    %add3A_51 = arith.addf %get3A_46, %broadcast_in_dim3A_50 : vector<64x128xf32>
    %swap3A_52 = arith.constant 0 : index
    %swap3A_53 = arith.constant 0 : index
    %swap3A_54 = vector.load %arg12[%swap3A_52, %swap3A_53] : memref<64x128xf32, #tpu.memory_space<vmem>>, vector<64x128xf32>
    tpu.vector_store %arg12[%swap3A_52, %swap3A_53], %add3A_51 {strides = array<i32>} : memref<64x128xf32, #tpu.memory_space<vmem>>, vector<64x128xf32>,
    %eq3A_55 = arith.constant 4 : i32
    %eq3A_56 = arith.cmpi eq, %arg0, %eq3A_55 : i32
    %convert_element_type3A_57 = arith.extui %eq3A_56 : i1 to i32
    %cond3A_58 = arith.constant 0 : i32
    %cond3A_59 = arith.cmpi ne, %convert_element_type3A_57, %cond3A_58 : i32
    scf.if %cond3A_59 {
      %get3A_60 = arith.constant 0 : index
      %get3A_61 = arith.constant 0 : index
      %get3A_62 = vector.load %arg11[%get3A_60, %get3A_61] : memref<64x128xf32, #tpu.memory_space<vmem>>, vector<64x128xf32>
      %get3A_63 = arith.constant 0 : index
      %get3A_64 = arith.constant 0 : index
      %get3A_65 = vector.load %arg12[%get3A_63, %get3A_64] : memref<64x128xf32, #tpu.memory_space<vmem>>, vector<64x128xf32>
      %max3A = arith.constant 1.000000e+00 : f32
      %max3A_66 = vector.broadcast %max3A : f32 to vector<64x128xf32>
      %max3A_67 = arith.maximumf %get3A_65, %max3A_66 : vector<64x128xf32>
      %div3A = arith.divf %get3A_62, %max3A_67 : vector<64x128xf32>
      %get3A_68 = arith.constant 0 : index
      %get3A_69 = arith.constant 0 : index
      %get3A_70 = vector.load %arg8[%get3A_68, %get3A_69] : memref<128x10xf32, #tpu.memory_space<vmem>>, vector<128x10xf32>
      %dot_general3A_71 = arith.constant dense<0.000000e+00> : vector<64x10xf32>
      %dot_general3A_72 = tpu.matmul %div3A, %get3A_70, %dot_general3A_71 {dimension_numbers = #tpu.dot_dimension_numbers<[1], [0], [0], [1], [0, 0, 1, 1], [], []>, transpose_lhs_hint = false} : vector<64x128xf32>, vector<128x10xf32>, vector<64x10xf32> -> vector<64x10xf32>
      %get3A_73 = arith.constant 0 : index
      %get3A_74 = arith.constant 0 : index
      %get3A_75 = vector.load %arg9[%get3A_73, %get3A_74] : memref<1x10xf32, #tpu.memory_space<vmem>>, vector<1x10xf32>
      %add3A_76 = vector.broadcast %get3A_75 : vector<1x10xf32> to vector<64x10xf32>
      %add3A_77 = arith.addf %dot_general3A_72, %add3A_76 : vector<64x10xf32>
      %reduce_max3A = arith.constant dense<0xFF800000> : vector<64xf32>
      %reduce_max3A_78 = vector.multi_reduction <maximumf>, %add3A_77, %reduce_max3A [1] : vector<64x10xf32> to vector<64xf32>
      %broadcast_in_dim3A_79 = vector.shape_cast %reduce_max3A_78 : vector<64xf32> to vector<64x1xf32>
      %sub3A = vector.broadcast %broadcast_in_dim3A_79 : vector<64x1xf32> to vector<64x10xf32>
      %sub3A_80 = arith.subf %add3A_77, %sub3A : vector<64x10xf32>
      %exp3A = math.exp %sub3A_80 : vector<64x10xf32>
      %reduce_sum3A_81 = arith.constant dense<0.000000e+00> : vector<64xf32>
      %reduce_sum3A_82 = vector.multi_reduction <add>, %exp3A, %reduce_sum3A_81 [1] : vector<64x10xf32> to vector<64xf32>
      %broadcast_in_dim3A_83 = vector.shape_cast %reduce_sum3A_82 : vector<64xf32> to vector<64x1xf32>
      %log3A = math.log %broadcast_in_dim3A_83 : vector<64x1xf32>
      %sub3A_84 = vector.broadcast %log3A : vector<64x1xf32> to vector<64x10xf32>
      %sub3A_85 = arith.subf %sub3A_80, %sub3A_84 : vector<64x10xf32>
      %swap3A_86 = arith.constant 0 : index
      %swap3A_87 = arith.constant 0 : index
      %swap3A_88 = vector.load %arg10[%swap3A_86, %swap3A_87] : memref<64x10xf32, #tpu.memory_space<vmem>>, vector<64x10xf32>
      tpu.vector_store %arg10[%swap3A_86, %swap3A_87], %sub3A_85 {strides = array<i32>} : memref<64x10xf32, #tpu.memory_space<vmem>>, vector<64x10xf32>,
    } else {
    }
    return
  }
  func.func @transform_0(%arg0: i32) -> (i32, i32) {
    %c0_i32 = arith.constant 0 : i32
    %c0_i32_0 = arith.constant 0 : i32
    return %arg0, %c0_i32 : i32, i32
  }
  func.func @transform_1(%arg0: i32) -> (i32, i32) {
    %c0_i32 = arith.constant 0 : i32
    %c0_i32_0 = arith.constant 0 : i32
    return %arg0, %c0_i32 : i32, i32
  }
  func.func @transform_2(%arg0: i32) -> (i32, i32) {
    %c0_i32 = arith.constant 0 : i32
    %c0_i32_0 = arith.constant 0 : i32
    return %arg0, %c0_i32 : i32, i32
  }
  func.func @transform_3(%arg0: i32) -> (i32, i32) {
    %c0_i32 = arith.constant 0 : i32
    %c0_i32_0 = arith.constant 0 : i32
    return %arg0, %c0_i32 : i32, i32
  }
  func.func @transform_4(%arg0: i32) -> (i32, i32) {
    %c0_i32 = arith.constant 0 : i32
    %c0_i32_0 = arith.constant 0 : i32
    return %arg0, %c0_i32 : i32, i32
  }
  func.func @transform_5(%arg0: i32) -> (i32, i32) {
    %c0_i32 = arith.constant 0 : i32
    %c0_i32_0 = arith.constant 0 : i32
    %c0_i32_1 = arith.constant 0 : i32
    return %c0_i32, %c0_i32_0 : i32, i32
  }
  func.func @transform_6(%arg0: i32) -> (i32, i32, i32) {
    %c0_i32 = arith.constant 0 : i32
    %c0_i32_0 = arith.constant 0 : i32
    %c0_i32_1 = arith.constant 0 : i32
    return %arg0, %c0_i32, %c0_i32_0 : i32, i32, i32
  }
  func.func @transform_7(%arg0: i32) -> (i32, i32) {
    %c0_i32 = arith.constant 0 : i32
    %c0_i32_0 = arith.constant 0 : i32
    %c0_i32_1 = arith.constant 0 : i32
    return %c0_i32, %c0_i32_0 : i32, i32
  }
  func.func @transform_8(%arg0: i32) -> (i32, i32) {
    %c0_i32 = arith.constant 0 : i32
    %c0_i32_0 = arith.constant 0 : i32
    %c0_i32_1 = arith.constant 0 : i32
    return %c0_i32, %c0_i32_0 : i32, i32
  }
  func.func @transform_9(%arg0: i32) -> (i32, i32) {
    %c0_i32 = arith.constant 0 : i32
    %c0_i32_0 = arith.constant 0 : i32
    %c0_i32_1 = arith.constant 0 : i32
    return %c0_i32, %c0_i32_0 : i32, i32
  }
}

</mosaic_0001>

<sc_bundles>
// kernel: kernel.11.cloned.1.call-start
scs
__scs_entry_jumppad:
0x0: {  	(pc) =	sbr.rel $0x88, $3  }
0x1: {  	(tag) =	ssettag $0x0;
	lr =	simm.s32 $0x1  }
0x2: {  	[smem:$0x3F98] =	sst lr;
	_ =	strace $0xD0000000  }
0x3: {  	_ = 	snop  }
0x4: {  	_ = 	snop  }
0x5: {  	_ = 	snop  }
0x6: {  	_ = 	snop  }
0x7: {  	_ = 	snop  }
__scs_overlays_trampoline_lowered:
0x8: {  	[smem:$0x3FA7] =	sst s0  }
0x9: {  	[smem:$0x3FA8] =	sst s1  }
0xa: {  	[smem:$0x3FA9] =	sst s2  }
0xb: {  	[smem:$0x3FAA] =	sst s3  }
0xc: {  	[smem:$0x3FAB] =	sst s4  }
0xd: {  	[smem:$0x3FAC] =	sst s5  }
0xe: {  	[smem:$0x3FAD] =	sst s6  }
0xf: {  	[smem:$0x3FAE] =	sst s7  }
0x10: {  	[smem:$0x3FAF] =	sst s8  }
0x11: {  	[smem:$0x3FB0] =	sst s9;
	s0 =	simm.s32 @!p0 $0x0  }
0x12: {  	s1 =	sld [smem:$0x3F96];
	s0 =	simm.s32 @p0 $0x1  }
0x13: {  	[smem:$0x3FB1] =	sst s0;
	s0 =	simm.s32 @!p1 $0x0  }
0x14: {  	s2 =	sld [smem:$0x3F95];
	s0 =	simm.s32 @p1 $0x1  }
0x15: {  	[smem:$0x3FB2] =	sst s0;
	s0 =	simm.s32 @!p2 $0x0  }
0x16: {  	s3 =	sld [smem:$0x3FDB];
	s0 =	simm.s32 @p2 $0x1  }
0x17: {  	s4 =	simm.s32 $0x1BF5;
	[smem:$0x3FB4] =	sst s0  }
0x18: {  	s0 =	sld [smem:$0x3F97];
	_ =	swait.ge [sflag:s4], $0x0  }
0x19: {  	s7 =	sld [smem:$0x3F98]  }
0x1a: {  	s8 =	sadd.s32 $0xFFFFE003, lr  }
0x1b: {  	s9 =	sadd.s32 $0xFFFFFEF7, lr;
	s5 =	simm.s32 $0xFFFFFFFF;
	p2 =	slt.u32 s8, $0xFFFFF086  }
0x1c: {  	p1 =	slt.u32 s9, $0xF7A;
	s5 =	simm.s32 @!p2 $0x0  }
0x1d: {  	s5 =	simm.s32 @p1 $0x1;
	p0 =	seq.s32 s7, s2  }
0x1e: {  	s7 =	smul.u32 @!p0 $0xF7A, s2;
	p2 =	seq.s32 @!p0 s5, $0x0  }
0x1f: {  	s9 =	smul.u32 $0xF7A, s1;
	s8 =	simm.s32 @!p0 $0x1BF5;
	p2 =	por !p2, p0  }
0x20: {  	[sflag:s8] =	ssyncset.s32 @!p0 $0xFFFFF086;
	s6 =	sadd.s32 @!p0 s3, s7;
	s7 =	simm.s32 @!p0 $0x108  }
0x21: {  	s3 =	sadd.s32 s3, s9;
	s6 =	sadd.s32 @!p0 $0x88, s6;
	s7 =	simm.s32 @p2 $0x1082  }
0x22: {  	[simem:s7], [sflag:s8] =	dma.local @!p0 [hbm:s6], $0xF7A  }
0x23: {  	s9 =	sor.u32 $0xD0000000, s2;
	s6 =	simm.s32 $0x108;
	_ =	swait.ge @!p0 [sflag:s8], $0x0  }
0x24: {  	s3 =	sadd.s32 $0x88, s3;
	s6 =	simm.s32 @!p1 $0x1082;
	[sflag:s4] =	ssyncset.s32 $0xFFFFF086  }
0x25: {  	[simem:s6], [sflag:s4] =	dma.local [hbm:s3], $0xF7A  }
0x26: {  	[smem:$0x3F98] =	sst s1;
	(tag) =	ssettag s2;
	_ =	strace s9  }
0x27: {  	s1 =	sld [smem:$0x3FA8]  }
0x28: {  	s2 =	sld [smem:$0x3FA9]  }
0x29: {  	s4 =	sld [smem:$0x3FAB]  }
0x2a: {  	p0 =	seq.s32 s5, $0x0;
	s5 =	sld [smem:$0x3FAC]  }
0x2b: {  	s6 =	sld [smem:$0x3FAD]  }
0x2c: {  	s7 =	sld [smem:$0x3FAE]  }
0x2d: {  	s3 =	simm.s32 $0x108;
	s8 =	sld [smem:$0x3FAF]  }
0x2e: {  	s3 =	simm.s32 @!p0 $0x1082;
	s9 =	sld [smem:$0x3FB0]  }
0x2f: {  	lr =	sadd.s32 s0, s3;
	s0 =	sld [smem:$0x3FA7]  }
0x30: {  	s3 =	sld [smem:$0x3FAA]  }
0x31: {  	[smem:$0x3FB3] =	sst s10  }
0x32: {  	s10 =	sld [smem:$0x3FB1];
	_ =	sdelay $0x3  }
0x33: {  	p0 =	seq.s32 s10, $0x1;
	s10 =	sld [smem:$0x3FB3];
	_ =	sdelay $0x3  }
0x34: {  	[smem:$0x3FB3] =	sst s10  }
0x35: {  	s10 =	sld [smem:$0x3FB2];
	_ =	sdelay $0x3  }
0x36: {  	p1 =	seq.s32 s10, $0x1;
	s10 =	sld [smem:$0x3FB3];
	_ =	sdelay $0x3  }
0x37: {  	[smem:$0x3FB3] =	sst s10  }
0x38: {  	s10 =	sld [smem:$0x3FB4]  }
0x39: {  	_ = 	snop;
	(pc) =	sbr.ind lr, $3  }
0x3a: {  	_ = 	snop  }
0x3b: {  	_ = 	snop  }
0x3c: {  	p2 =	seq.s32 s10, $0x1;
	s10 =	sld [smem:$0x3FB3]  }
0x3d: {  	_ =	shalt  }
0x3e: {  	_ =	shalt  }
0x3f: {  	_ =	shalt  }
0x40: {  	_ =	shalt  }
0x41: {  	_ =	shalt  }
0x42: {  	_ =	shalt  }
0x43: {  	_ =	shalt  }
0x44: {  	_ =	shalt  }
0x45: {  	_ =	shalt  }
0x46: {  	_ =	shalt  }
0x47: {  	_ =	shalt  }
0x48: {  	_ =	shalt  }
0x49: {  	_ =	shalt  }
0x4a: {  	_ =	shalt  }
0x4b: {  	_ =	shalt  }
0x4c: {  	_ =	shalt  }
0x4d: {  	_ =	shalt  }
0x4e: {  	_ =	shalt  }
0x4f: {  	_ =	shalt  }
0x50: {  	_ =	shalt  }
0x51: {  	_ =	shalt  }
0x52: {  	_ =	shalt  }
0x53: {  	_ =	shalt  }
0x54: {  	_ =	shalt  }
0x55: {  	_ =	shalt  }
0x56: {  	_ =	shalt  }
0x57: {  	_ =	shalt  }
0x58: {  	_ =	shalt  }
0x59: {  	_ =	shalt  }
0x5a: {  	_ =	shalt  }
0x5b: {  	_ =	shalt  }
0x5c: {  	_ =	shalt  }
0x5d: {  	_ =	shalt  }
0x5e: {  	_ =	shalt  }
0x5f: {  	_ =	shalt  }
0x60: {  	_ =	shalt  }
0x61: {  	_ =	shalt  }
0x62: {  	_ =	shalt  }
0x63: {  	_ =	shalt  }
0x64: {  	_ =	shalt  }
0x65: {  	_ =	shalt  }
0x66: {  	_ =	shalt  }
0x67: {  	_ =	shalt  }
0x68: {  	_ =	shalt  }
0x69: {  	_ =	shalt  }
0x6a: {  	_ =	shalt  }
0x6b: {  	_ =	shalt  }
0x6c: {  	_ =	shalt  }
0x6d: {  	_ =	shalt  }
0x6e: {  	_ =	shalt  }
0x6f: {  	_ =	shalt  }
0x70: {  	_ =	shalt  }
0x71: {  	_ =	shalt  }
0x72: {  	_ =	shalt  }
0x73: {  	_ =	shalt  }
0x74: {  	_ =	shalt  }
0x75: {  	_ =	shalt  }
0x76: {  	_ =	shalt  }
0x77: {  	_ =	shalt  }
0x78: {  	_ =	shalt  }
0x79: {  	_ =	shalt  }
0x7a: {  	_ =	shalt  }
0x7b: {  	_ =	shalt  }
0x7c: {  	_ =	shalt  }
0x7d: {  	_ =	shalt  }
0x7e: {  	_ =	shalt  }
0x7f: {  	_ =	shalt  }
0x80: {  	_ =	shalt  }
0x81: {  	_ =	shalt  }
0x82: {  	_ =	shalt  }
0x83: {  	_ =	shalt  }
0x84: {  	_ =	shalt  }
0x85: {  	_ =	shalt  }
0x86: {  	_ =	shalt  }
0x87: {  	_ =	shalt  }
.Lfunc_end0:
.L_simem_size_0:
called_computation.1_lowered:
.L_overlay_start_0:
0x88: {  	s2 =	sld [smem:$0x3FD9]  }
0x89: {  	s3 =	sld [smem:$0x3FFE];
	_ =	sdelay $0x1  }
0x8a: {  	s1 =	srdreg.scid  }
0x8b: {  	s0 =	sand.u32 $0x1, s1  }
0x8c: {  	s16 =	sshll.u32 s0, $0xA;
	s2 =	sadd.s32 s3, s2  }
0x8d: {  	s2 =	sadd.s32 s2, s16  }
0x8e: {  	[smem:$0x3FBF] =	sst s2  }
0x8f: {  	_ = 	snop  }
0x90: {  	(tm) =	ssettm $0x1  }
0x91: {  	s17 =	sld [smem:$0x3FFB];
	_ =	sdelay $0x3  }
0x92: {  	_ =	strace s17  }
0x93: {  	s2 =	sld [smem:$0x3FFC];
	_ =	sdelay $0x3  }
0x94: {  	_ =	strace s2  }
0x95: {  	s2 =	sld [smem:$0x3FFD];
	_ =	sdelay $0x3  }
0x96: {  	_ =	strace s2  }
0x97: {  	_ =	strace $0x8FFFFFFF  }
0x98: {  	s18 =	sld [smem:$0x3FDB];
	_ =	sdelay $0x1  }
0x99: {  	s19 =	simm.s32 $_scs_section_size  }
0x9a: {  	s4 =	simm.s32 $_size__tile_overlayer_lowered;
	s5 =	simm.s32 $_tile_overlayer_lowered  }
0x9b: {  	s22 =	simm.s32 $0x1BFF;
	s21 =	sshll.u32 s5, $0x1;
	s2 =	sadd.s32 s19, s18  }
0x9c: {  	s6 =	simm.s32 $0x0;
	s20 =	sshll.u32 s4, $0x1;
	s4 =	sadd.s32 s21, s2  }
0x9d: {  	[timem:s6], [sflag:s22] =	dma.local [hbm:s4], s20  }
0x9e: {  	_ =	swait.ge [sflag:s22], s20  }
0x9f: {  	s3 =	ssub.s32 $0x0, s20;
	[sflag:s22] =	ssyncset.done $0x0  }
0xa0: {  	[sflag:s22] =	ssyncadd.s32 s3;
	_ =	sdelay $0x1  }
0xa1: {  	s23 =	simm.s32 $0x1B8B  }
0xa2: {  	_ =	swait.ge [sflag:s23], $0x1  }
0xa3: {  	[sflag:s23] =	ssyncset.done $0x0  }
0xa4: {  	s25 =	simm.s32 $0x1B8E;
	s24 =	sld [smem:$0x3FFE];
	[sflag:s23] =	ssyncadd.s32 $0xFFFFFFFF  }
0xa5: {  	s26 =	simm.s32 $execute0_lowered;
	[smem:$0x3FD2] =	sst s25  }
0xa6: {  	s4 =	sshll.u32 s26, $0x1;
	_ =	strace $0x80000049;
	[dreg:$0x1] =	wrdreg $0xFFFFFFFF  }
0xa7: {  	s28 =	simm.s32 $_size_execute0_lowered;
	s2 =	sadd.s32 s2, s4;
	[dreg:$0x0] =	wrdreg $0x0  }
0xa8: {  	s4 =	sshll.u32 s28, $0x1;
	[dreg:$0x2] =	wrdreg s2  }
0xa9: {  	[dreg:$0x3] =	wrdreg s4  }
0xaa: {  	[dreg:$0x4] =	wrdreg $0xC0  }
0xab: {  	_ =	task [dreg:s6], $0x5FFFF  }
0xac: {  	[dreg:$0x1] =	wrdreg $0xFFFFFFFF  }
0xad: {  	[dreg:$0x0] =	wrdreg $0x60  }
0xae: {  	[dreg:$0x2] =	wrdreg s24  }
0xaf: {  	[dreg:$0x3] =	wrdreg $0xA9000  }
0xb0: {  	[dreg:$0x4] =	wrdreg $0x9  }
0xb1: {  	_ =	task.clear_ibuf [dreg:s6], $0x5FFFF;
	_ =	strace $0x90000049  }
0xb2: {  	s29 =	simm.s32 $0x9;
	_ =	strace $0x8000004B  }
0xb3: {  	_ =	swait.ge [sflag:s29], $0x1  }
0xb4: {  	[sflag:s29] =	ssyncadd.s32 $0xFFFFFFFF  }
0xb5: {  	_ =	strace $0x9000004B  }
0xb6: {  	_ =	sfence  }
0xb7: {  	s30 =	sld [smem:$0x0];
	_ =	sdelay $0x2  }
0xb8: {  	s31 =	sshll.u32 s1, $0xD;
	s1 =	sshrl.u32 s1, $0x2  }
0xb9: {  	s3 =	sand.u32 $0x4000, s31;
	s1 =	sadd.s32 s1, s30  }
0xba: {  	s0 =	sor.u32 s3, s0;
	s1 =	sshll.u32 s1, $0x11  }
0xbb: {  	s0 =	sor.u32 s1, s0  }
0xbc: {  	s0 =	sadd.s32 $0x8F2B, s0  }
0xbd: {  	[sflag:s0] =	ssyncadd.remote.s32 $0x1  }
0xbe: {  	_ =	sfence.sel $0xFFFF  }
0xbf: {  	[dreg:$0x0] =	wrdreg $0xFFFFFFFF;
	(pc) =	sbr.abs _section_cstart, $3  }
0xc0: {  	[dreg:$0x1] =	wrdreg $0xFFFFFFFF  }
0xc1: {  	_ =	task.clear_ibuf [dreg:s6], $0x2FFFF;
	_ =	strace $0x9FFFFFFF  }
0xc2: {  	(tm) =	ssettm $0x7FFFFFFF  }
0xc3: {  	_ =	shalt  }
tec
execute0_lowered:
.L_overlay_start_1:
0x0: {  	(tag) =	ssettag $0x1  }
0x1: {  	s0 =	srdreg.scid;
	s1 =	rddreg [dreg:$0x0]  }
0x2: {  	s14 =	stileid.u32;
	s2 =	rddreg [dreg:$0x1]  }
0x3: {  	s17 =	simm.s32 $0x80;
	s18 =	simm.s32 $0x1;
	s19 =	simm.s32 $0x2900  }
0x4: {  	s20 =	simm.s32 $0x2;
	s21 =	simm.s32 $0x6900;
	s22 =	simm.s32 $0x3  }
0x5: {  	s23 =	simm.s32 $0x4;
	s24 =	simm.s32 $0x5;
	s25 =	simm.s32 $0x6  }
0x6: {  	s29 =	simm.s32 $0x0;
	s0 =	sand.u32 $0x1, s0;
	s3 =	sshll.u32 s14, $0x1  }
0x7: {  	s8 =	smul.u32 $0x14000, s14;
	s5 =	sadd.s32 $0x6B000, s1;
	s6 =	sadd.s32 $0x61000, s1  }
0x8: {  	s12 =	smul.u32 $0x50000, s14;
	s31 =	sshll.u32 s14, $0x6;
	s14 =	simm.s32 $0x7  }
0x9: {  	s4 =	sor.u32 s0, s3;
	s3 =	simm.s32 $0x0;
	s7 =	smul.u32 $0x140000, s0  }
0xa: {  	s0 =	ssub.s32 $0x2, s0;
	s15 =	sor.u32 $0x1C07, s31;
	s4 =	smul.u32 $0x2800, s4  }
0xb: {  	[smem:$0x7FF] =	sst s3;
	s11 =	sshrl.u32 s0, $0x1;
	s30 =	sshrl.u32 s12, $0x2  }
0xc: {  	_ =	strace $0x8000004A;
	s7 =	sadd.s32 s8, s7;
	s0 =	ssub.s32 s0, s11  }
0xd: {  	s13 =	sadd.s32 s30, s2;
	s9 =	sshrl.u32 s4, $0x3;
	s8 =	sshrl.u32 s7, $0x3  }
0xe: {  	s7 =	sadd.s32 $0xE000, s1;
	s12 =	smax.u32 s0, $0x1;
	s16 =	sshrl.u32 s13, $0x3  }
0xf: {  	s10 =	sadd.s32 s9, s1;
	s1 =	sadd.s32 s8, s1;
	s9 =	sadd.s32 s6, s9  }
0x10: {  	s8 =	sadd.s32 $0x4000, s10;
	s10 =	sadd.s32 $0x10, s9;
	s11 =	sadd.s32 $0x92200, s1  }
.LBB2_1:
0x11: {  	s0 =	simm.s32 $0x100  }
0x12: {  	[tilespmem:s0], [sflag:$0x7] =	stream.linear.gather [hbm4b:s8+s3], $0x2800, $0x38;
	[tilespmem:$0x1E900] =	vst v63  }
0x13: {  	_ =	swait.ge [sflag:s14], $0x2800  }
0x14: {  	[sflag:s14] =	ssyncset.done $0x0  }
0x15: {  	[sflag:s14] =	ssyncadd.s32 $0xFFFFD800  }
0x16: {  	[spmem:s16], [sflag:s15] =	dma.local [hbm:s7], $0x2800  }
0x17: {  	_ =	swait.ge [sflag:s14], $0x2800  }
0x18: {  	[sflag:s14] =	ssyncset.done $0x0  }
0x19: {  	[sflag:s14] =	ssyncadd.s32 $0xFFFFD800  }
0x1a: {  	[bflag:$0x0] =	sbarrier.arrive $0xFFFF  }
0x1b: {  	[tilespmem:s3], [sflag:$0x1] =	stream.linear.gather [hbm4b:s9+s3], $0x80, $0x38;
	[tilespmem:$0x1E900] =	vst v63  }
0x1c: {  	_ = 	snop  }
0x1d: {  	[tilespmem:s17], [sflag:$0x2] =	stream.linear.gather [hbm4b:s10+s3], $0x80, $0x38;
	[tilespmem:$0x1E900] =	vst v63  }
0x1e: {  	_ =	swait.ge [sflag:s18], $0x80  }
0x1f: {  	[sflag:s18] =	ssyncset.done $0x0  }
0x20: {  	[sflag:s18] =	ssyncadd.s32 $0xFFFFFF80  }
0x21: {  	[tilespmem:s19], [sflag:$0x3] =	stream.indirect.gather [hbm4b:s5+s17], $0x80, s3, s17, $0xb8;
	[tilespmem:$0x1E900] =	vst v63  }
0x22: {  	s26 =	simm.s32 $0x100;
	_ =	swait.ge [sflag:s20], $0x80  }
0x23: {  	s1 =	sand.u32 $0x7C00, s26;
	[sflag:s20] =	ssyncset.done $0x0  }
0x24: {  	s0 =	sand.u32 $0x300, s26;
	s1 =	sadd.s32 s4, s1;
	[sflag:s20] =	ssyncadd.s32 $0xFFFFFF80  }
0x25: {  	[tilespmem:s21], [sflag:$0x4] =	stream.indirect.gather [hbm4b:s5+s17], $0x80, s17, s17, $0xb8;
	[tilespmem:$0x1E900] =	vst v63  }
0x26: {  	s0 =	sor.u32 s0, s1;
	_ =	swait.ge [sflag:s22], $0x4000  }
0x27: {  	s0 =	sshrl.u32 s0, $0x3;
	[sflag:s22] =	ssyncset.done $0x0  }
0x28: {  	s1 =	simm.s32 $0x180;
	s0 =	sadd.s32 s6, s0;
	[sflag:s22] =	ssyncadd.s32 $0xFFFFC000  }
0x29: {  	[tilespmem:s3], [sflag:$0x1] =	stream.linear.gather [hbm4b:s0+s3], $0x80, $0x38;
	[tilespmem:$0x1E900] =	vst v63  }
0x2a: {  	s28 =	simm.s32 $0x100;
	s13 =	sand.u32 $0x7C00, s1  }
0x2b: {  	[spmem:s2] =	stream.indirect.scatter.add.f32 [tilespmem:s19], [sflag:$0x5], $0x80, s28, s17, $0xb8;
	[tilespmem:$0x1E900] =	vst v63  }
0x2c: {  	s26 =	sadd.s32 s4, s13;
	s28 =	sand.u32 $0x380, s1  }
0x2d: {  	_ =	swait.ge [sflag:s23], $0x4000;
	s0 =	sor.u32 s28, s26  }
0x2e: {  	[sflag:s23] =	ssyncset.done $0x0;
	s0 =	sshrl.u32 s0, $0x3  }
0x2f: {  	[sflag:s23] =	ssyncadd.s32 $0xFFFFC000;
	s0 =	sadd.s32 s6, s0  }
0x30: {  	[tilespmem:s17], [sflag:$0x2] =	stream.linear.gather [hbm4b:s0+s3], $0x80, $0x38;
	[tilespmem:$0x1E900] =	vst v63  }
0x31: {  	_ = 	snop  }
0x32: {  	[spmem:s2] =	stream.indirect.scatter.add.f32 [tilespmem:s21], [sflag:$0x6], $0x80, s1, s17, $0xb8;
	[tilespmem:$0x1E900] =	vst v63  }
0x33: {  	_ =	swait.ge [sflag:s24], $0x4000  }
0x34: {  	[sflag:s24] =	ssyncset.done $0x0  }
0x35: {  	[sflag:s24] =	ssyncadd.s32 $0xFFFFC000  }
0x36: {  	_ =	swait.ge [sflag:s18], $0x80  }
0x37: {  	[sflag:s18] =	ssyncset.done $0x0  }
0x38: {  	[sflag:s18] =	ssyncadd.s32 $0xFFFFFF80  }
0x39: {  	[tilespmem:s19], [sflag:$0x3] =	stream.indirect.gather [hbm4b:s5+s17], $0x80, s3, s17, $0xb8;
	[tilespmem:$0x1E900] =	vst v63  }
0x3a: {  	s30 =	simm.s32 $0x280;
	s31 =	simm.s32 $0x280;
	_ =	swait.ge [sflag:s25], $0x4000  }
0x3b: {  	s0 =	simm.s32 $0x200;
	s1 =	simm.s32 $0x380;
	[sflag:s25] =	ssyncset.done $0x0  }
.LBB2_2:
0x3c: {  	s26 =	sand.u32 $0x7C00, s0  }
0x3d: {  	[sflag:s25] =	ssyncadd.s32 $0xFFFFC000;
	s28 =	smov.u32 s1;
	s13 =	sadd.s32 $0x100, s1  }
0x3e: {  	s0 =	sand.u32 $0x300, s0;
	s26 =	sadd.s32 s4, s26;
	_ =	swait.ge [sflag:s20], $0x80  }
0x3f: {  	p0 =	sne.s32 s1, $0x2780;
	s0 =	sor.u32 s0, s26;
	[sflag:s20] =	ssyncset.done $0x0  }
0x40: {  	s0 =	sshrl.u32 s0, $0x3;
	[sflag:s20] =	ssyncadd.s32 $0xFFFFFF80  }
0x41: {  	[tilespmem:s21], [sflag:$0x4] =	stream.indirect.gather [hbm4b:s5+s17], $0x80, s17, s17, $0xb8;
	[tilespmem:$0x1E900] =	vst v63  }
0x42: {  	_ =	swait.ge [sflag:s22], $0x4000  }
0x43: {  	[sflag:s22] =	ssyncset.done $0x0  }
0x44: {  	s0 =	sadd.s32 s6, s0;
	[sflag:s22] =	ssyncadd.s32 $0xFFFFC000  }
0x45: {  	[tilespmem:s3], [sflag:$0x1] =	stream.linear.gather [hbm4b:s0+s3], $0x80, $0x38;
	[tilespmem:$0x1E900] =	vst v63  }
0x46: {  	s1 =	sand.u32 $0x7C00, s31;
	s0 =	sadd.s32 $0xFFFFFF80, s30  }
0x47: {  	[spmem:s2] =	stream.indirect.scatter.add.f32 [tilespmem:s19], [sflag:$0x5], $0x80, s0, s17, $0xb8;
	[tilespmem:$0x1E900] =	vst v63  }
0x48: {  	s0 =	sadd.s32 s4, s1;
	s1 =	sand.u32 $0x380, s31;
	s31 =	smov.u32 s28  }
0x49: {  	s0 =	sor.u32 s1, s0;
	_ =	swait.ge [sflag:s23], $0x4000  }
0x4a: {  	s0 =	sshrl.u32 s0, $0x3;
	[sflag:s23] =	ssyncset.done $0x0  }
0x4b: {  	s0 =	sadd.s32 s6, s0;
	[sflag:s23] =	ssyncadd.s32 $0xFFFFC000  }
0x4c: {  	[tilespmem:s17], [sflag:$0x2] =	stream.linear.gather [hbm4b:s0+s3], $0x80, $0x38;
	[tilespmem:$0x1E900] =	vst v63  }
0x4d: {  	_ = 	snop  }
0x4e: {  	[spmem:s2] =	stream.indirect.scatter.add.f32 [tilespmem:s21], [sflag:$0x6], $0x80, s30, s17, $0xb8;
	[tilespmem:$0x1E900] =	vst v63  }
0x4f: {  	_ =	swait.ge [sflag:s24], $0x4000  }
0x50: {  	[sflag:s24] =	ssyncset.done $0x0  }
0x51: {  	[sflag:s24] =	ssyncadd.s32 $0xFFFFC000  }
0x52: {  	_ =	swait.ge [sflag:s18], $0x80  }
.Ltmp0:
0x53: {  	[sflag:s18] =	ssyncset.done $0x0;
	(pc) =	sbr.rel @p0 .LBB2_2-.Ltmp0, $4  }
0x54: {  	[sflag:s18] =	ssyncadd.s32 $0xFFFFFF80  }
0x55: {  	[tilespmem:s19], [sflag:$0x3] =	stream.indirect.gather [hbm4b:s5+s17], $0x80, s3, s17, $0xb8;
	[tilespmem:$0x1E900] =	vst v63  }
0x56: {  	s1 =	smov.u32 s13;
	_ =	swait.ge [sflag:s25], $0x4000  }
0x57: {  	s0 =	sadd.s32 $0xFFFFFF80, s31;
	s30 =	sadd.s32 $0x100, s30;
	[sflag:s25] =	ssyncset.done $0x0  }
0x58: {  	[sflag:s25] =	ssyncadd.s32 $0xFFFFC000  }
0x59: {  	_ =	swait.ge [sflag:s20], $0x80  }
0x5a: {  	s1 =	sand.u32 $0x7C00, s0;
	[sflag:s20] =	ssyncset.done $0x0  }
0x5b: {  	s28 =	sand.u32 $0x300, s0;
	s1 =	sadd.s32 s4, s1;
	[sflag:s20] =	ssyncadd.s32 $0xFFFFFF80  }
0x5c: {  	[tilespmem:s21], [sflag:$0x4] =	stream.indirect.gather [hbm4b:s5+s17], $0x80, s17, s17, $0xb8;
	[tilespmem:$0x1E900] =	vst v63  }
0x5d: {  	s0 =	sor.u32 s28, s1;
	_ =	swait.ge [sflag:s22], $0x4000  }
0x5e: {  	s0 =	sshrl.u32 s0, $0x3;
	[sflag:s22] =	ssyncset.done $0x0  }
0x5f: {  	s13 =	sand.u32 $0x7C00, s31;
	s0 =	sadd.s32 s6, s0;
	[sflag:s22] =	ssyncadd.s32 $0xFFFFC000  }
0x60: {  	[tilespmem:s3], [sflag:$0x1] =	stream.linear.gather [hbm4b:s0+s3], $0x80, $0x38;
	[tilespmem:$0x1E900] =	vst v63  }
0x61: {  	s26 =	sadd.s32 s4, s13;
	s1 =	sadd.s32 $0xFFFFFF80, s30;
	s28 =	sand.u32 $0x380, s31  }
0x62: {  	[spmem:s2] =	stream.indirect.scatter.add.f32 [tilespmem:s19], [sflag:$0x5], $0x80, s1, s17, $0xb8;
	[tilespmem:$0x1E900] =	vst v63  }
0x63: {  	s0 =	sor.u32 s28, s26;
	_ =	swait.ge [sflag:s23], $0x4000  }
0x64: {  	s0 =	sshrl.u32 s0, $0x3;
	[sflag:s23] =	ssyncset.done $0x0  }
0x65: {  	s0 =	sadd.s32 s6, s0;
	[sflag:s23] =	ssyncadd.s32 $0xFFFFC000  }
0x66: {  	[tilespmem:s17], [sflag:$0x2] =	stream.linear.gather [hbm4b:s0+s3], $0x80, $0x38;
	[tilespmem:$0x1E900] =	vst v63  }
0x67: {  	_ = 	snop  }
0x68: {  	[spmem:s2] =	stream.indirect.scatter.add.f32 [tilespmem:s21], [sflag:$0x6], $0x80, s30, s17, $0xb8;
	[tilespmem:$0x1E900] =	vst v63  }
0x69: {  	_ =	swait.ge [sflag:s24], $0x4000  }
0x6a: {  	[sflag:s24] =	ssyncset.done $0x0  }
0x6b: {  	[sflag:s24] =	ssyncadd.s32 $0xFFFFC000  }
0x6c: {  	_ =	swait.ge [sflag:s18], $0x80  }
0x6d: {  	[sflag:s18] =	ssyncset.done $0x0  }
0x6e: {  	[sflag:s18] =	ssyncadd.s32 $0xFFFFFF80  }
0x6f: {  	[tilespmem:s19], [sflag:$0x3] =	stream.indirect.gather [hbm4b:s5+s17], $0x80, s3, s17, $0xb8;
	[tilespmem:$0x1E900] =	vst v63  }
0x70: {  	_ =	swait.ge [sflag:s25], $0x4000  }
0x71: {  	[sflag:s25] =	ssyncset.done $0x0  }
0x72: {  	[sflag:s25] =	ssyncadd.s32 $0xFFFFC000  }
0x73: {  	_ =	swait.ge [sflag:s20], $0x80  }
0x74: {  	[sflag:s20] =	ssyncset.done $0x0  }
0x75: {  	[sflag:s20] =	ssyncadd.s32 $0xFFFFFF80  }
0x76: {  	[tilespmem:s21], [sflag:$0x4] =	stream.indirect.gather [hbm4b:s5+s17], $0x80, s17, s17, $0xb8;
	[tilespmem:$0x1E900] =	vst v63  }
0x77: {  	_ =	swait.ge [sflag:s22], $0x4000  }
0x78: {  	[sflag:s22] =	ssyncset.done $0x0  }
0x79: {  	s30 =	simm.s32 $0x2800;
	[sflag:s22] =	ssyncadd.s32 $0xFFFFC000  }
0x7a: {  	[spmem:s2] =	stream.indirect.scatter.add.f32 [tilespmem:s19], [sflag:$0x5], $0x80, s30, s17, $0xb8;
	[tilespmem:$0x1E900] =	vst v63  }
0x7b: {  	_ =	swait.ge [sflag:s23], $0x4000  }
0x7c: {  	[sflag:s23] =	ssyncset.done $0x0  }
0x7d: {  	s31 =	simm.s32 $0x2880;
	[sflag:s23] =	ssyncadd.s32 $0xFFFFC000  }
0x7e: {  	[spmem:s2] =	stream.indirect.scatter.add.f32 [tilespmem:s21], [sflag:$0x6], $0x80, s31, s17, $0xb8;
	[tilespmem:$0x1E900] =	vst v63  }
0x7f: {  	_ =	swait.ge [sflag:s24], $0x4000  }
0x80: {  	[sflag:s24] =	ssyncset.done $0x0  }
0x81: {  	[sflag:s24] =	ssyncadd.s32 $0xFFFFC000  }
0x82: {  	_ =	swait.ge [sflag:s25], $0x4000  }
0x83: {  	s29 =	sadd.s32 $0x1, s29;
	[sflag:s25] =	ssyncset.done $0x0  }
0x84: {  	p0 =	sne.s32 s29, s12;
	[sflag:s25] =	ssyncadd.s32 $0xFFFFC000  }
.Ltmp1:
0x85: {  	[bflag:$0x0] =	sbarrier.arrive $0xFFFF;
	(pc) =	sbr.rel @p0 .LBB2_1-.Ltmp1, $4  }
0x86: {  	[hbm:s11], [sflag:s15] =	dma.local [spmem:s16], $0x2800  }
0x87: {  	_ =	swait.ge [sflag:s14], $0x2800  }
0x88: {  	[sflag:s14] =	ssyncset.done $0x0  }
0x89: {  	[sflag:s14] =	ssyncadd.s32 $0xFFFFD800  }
0x8a: {  	_ =	sfence.sel $0x180000  }
0x8b: {  	[bflag:$0x0] =	sbarrier.arrive $0xFFFF  }
0x8c: {  	_ =	strace $0x9000004A  }
0x8d: {  	s0 =	stileid.u32;
	[bflag:$0x2] =	sbarrier.arrive $0xFFFF  }
0x8e: {  	p0 =	sne.s32 s0, $0x0;
	s0 =	rddreg [dreg:$0x2]  }
0x8f: {  	s0 =	sadd.s32 @!p0 $0x100000, s0  }
0x90: {  	[sflag:s0] =	ssyncadd.tile.s32 @!p0 $0x1;
	_ =	shalt  }
.Lfunc_end2:
_tile_overlayer_lowered:
.L_overlay_start_2:
0x91: {  	(tag) =	ssettag $0x2  }
0x92: {  	s0 =	rddreg [dreg:$0x0];
	s2 =	stileid.u32  }
0x93: {  	s1 =	rddreg [dreg:$0x1];
	p0 =	sne.s32 s2, $0x0  }
0x94: {  	s3 =	rddreg [dreg:$0x2];
	[bflag:$0x3] =	sbarrier.arrive $0xFFFF;
	s2 =	simm.s32 @!p0 $0x1C07  }
0x95: {  	[timem:s3], [sflag:s2] =	dma.local @!p0 [hbm:s0], s1  }
0x96: {  	s0 =	simm.s32 @!p0 $0x7  }
0x97: {  	_ =	swait.ge @!p0 [sflag:s0], s1  }
0x98: {  	s1 =	ssub.s32 @!p0 $0x0, s1;
	[sflag:s0] =	ssyncset.done @!p0 $0x0  }
0x99: {  	[sflag:s0] =	ssyncadd.s32 @!p0 s1  }
0x9a: {  	[bflag:$0x3] =	sbarrier.arrive $0xFFFF  }
0x9b: {  	_ =	shalt  }

// kernel: kernel.14.cloned.1.call-start
scs
__scs_entry_jumppad:
0x0: {  	(pc) =	sbr.rel $0x88, $3  }
0x1: {  	(tag) =	ssettag $0x0;
	lr =	simm.s32 $0x1  }
0x2: {  	[smem:$0x3F98] =	sst lr;
	_ =	strace $0xD0000000  }
0x3: {  	_ = 	snop  }
0x4: {  	_ = 	snop  }
0x5: {  	_ = 	snop  }
0x6: {  	_ = 	snop  }
0x7: {  	_ = 	snop  }
__scs_overlays_trampoline_lowered:
0x8: {  	[smem:$0x3FA7] =	sst s0  }
0x9: {  	[smem:$0x3FA8] =	sst s1  }
0xa: {  	[smem:$0x3FA9] =	sst s2  }
0xb: {  	[smem:$0x3FAA] =	sst s3  }
0xc: {  	[smem:$0x3FAB] =	sst s4  }
0xd: {  	[smem:$0x3FAC] =	sst s5  }
0xe: {  	[smem:$0x3FAD] =	sst s6  }
0xf: {  	[smem:$0x3FAE] =	sst s7  }
0x10: {  	[smem:$0x3FAF] =	sst s8  }
0x11: {  	[smem:$0x3FB0] =	sst s9;
	s0 =	simm.s32 @!p0 $0x0  }
0x12: {  	s1 =	sld [smem:$0x3F96];
	s0 =	simm.s32 @p0 $0x1  }
0x13: {  	[smem:$0x3FB1] =	sst s0;
	s0 =	simm.s32 @!p1 $0x0  }
0x14: {  	s2 =	sld [smem:$0x3F95];
	s0 =	simm.s32 @p1 $0x1  }
0x15: {  	[smem:$0x3FB2] =	sst s0;
	s0 =	simm.s32 @!p2 $0x0  }
0x16: {  	s3 =	sld [smem:$0x3FDB];
	s0 =	simm.s32 @p2 $0x1  }
0x17: {  	s4 =	simm.s32 $0x1BF5;
	[smem:$0x3FB4] =	sst s0  }
0x18: {  	s0 =	sld [smem:$0x3F97];
	_ =	swait.ge [sflag:s4], $0x0  }
0x19: {  	s7 =	sld [smem:$0x3F98]  }
0x1a: {  	s8 =	sadd.s32 $0xFFFFE003, lr  }
0x1b: {  	s9 =	sadd.s32 $0xFFFFFEF7, lr;
	s5 =	simm.s32 $0xFFFFFFFF;
	p2 =	slt.u32 s8, $0xFFFFF086  }
0x1c: {  	p1 =	slt.u32 s9, $0xF7A;
	s5 =	simm.s32 @!p2 $0x0  }
0x1d: {  	s5 =	simm.s32 @p1 $0x1;
	p0 =	seq.s32 s7, s2  }
0x1e: {  	s7 =	smul.u32 @!p0 $0xF7A, s2;
	p2 =	seq.s32 @!p0 s5, $0x0  }
0x1f: {  	s9 =	smul.u32 $0xF7A, s1;
	s8 =	simm.s32 @!p0 $0x1BF5;
	p2 =	por !p2, p0  }
0x20: {  	[sflag:s8] =	ssyncset.s32 @!p0 $0xFFFFF086;
	s6 =	sadd.s32 @!p0 s3, s7;
	s7 =	simm.s32 @!p0 $0x108  }
0x21: {  	s3 =	sadd.s32 s3, s9;
	s6 =	sadd.s32 @!p0 $0x88, s6;
	s7 =	simm.s32 @p2 $0x1082  }
0x22: {  	[simem:s7], [sflag:s8] =	dma.local @!p0 [hbm:s6], $0xF7A  }
0x23: {  	s9 =	sor.u32 $0xD0000000, s2;
	s6 =	simm.s32 $0x108;
	_ =	swait.ge @!p0 [sflag:s8], $0x0  }
0x24: {  	s3 =	sadd.s32 $0x88, s3;
	s6 =	simm.s32 @!p1 $0x1082;
	[sflag:s4] =	ssyncset.s32 $0xFFFFF086  }
0x25: {  	[simem:s6], [sflag:s4] =	dma.local [hbm:s3], $0xF7A  }
0x26: {  	[smem:$0x3F98] =	sst s1;
	(tag) =	ssettag s2;
	_ =	strace s9  }
0x27: {  	s1 =	sld [smem:$0x3FA8]  }
0x28: {  	s2 =	sld [smem:$0x3FA9]  }
0x29: {  	s4 =	sld [smem:$0x3FAB]  }
0x2a: {  	p0 =	seq.s32 s5, $0x0;
	s5 =	sld [smem:$0x3FAC]  }
0x2b: {  	s6 =	sld [smem:$0x3FAD]  }
0x2c: {  	s7 =	sld [smem:$0x3FAE]  }
0x2d: {  	s3 =	simm.s32 $0x108;
	s8 =	sld [smem:$0x3FAF]  }
0x2e: {  	s3 =	simm.s32 @!p0 $0x1082;
	s9 =	sld [smem:$0x3FB0]  }
0x2f: {  	lr =	sadd.s32 s0, s3;
	s0 =	sld [smem:$0x3FA7]  }
0x30: {  	s3 =	sld [smem:$0x3FAA]  }
0x31: {  	[smem:$0x3FB3] =	sst s10  }
0x32: {  	s10 =	sld [smem:$0x3FB1];
	_ =	sdelay $0x3  }
0x33: {  	p0 =	seq.s32 s10, $0x1;
	s10 =	sld [smem:$0x3FB3];
	_ =	sdelay $0x3  }
0x34: {  	[smem:$0x3FB3] =	sst s10  }
0x35: {  	s10 =	sld [smem:$0x3FB2];
	_ =	sdelay $0x3  }
0x36: {  	p1 =	seq.s32 s10, $0x1;
	s10 =	sld [smem:$0x3FB3];
	_ =	sdelay $0x3  }
0x37: {  	[smem:$0x3FB3] =	sst s10  }
0x38: {  	s10 =	sld [smem:$0x3FB4]  }
0x39: {  	_ = 	snop;
	(pc) =	sbr.ind lr, $3  }
0x3a: {  	_ = 	snop  }
0x3b: {  	_ = 	snop  }
0x3c: {  	p2 =	seq.s32 s10, $0x1;
	s10 =	sld [smem:$0x3FB3]  }
0x3d: {  	_ =	shalt  }
0x3e: {  	_ =	shalt  }
0x3f: {  	_ =	shalt  }
0x40: {  	_ =	shalt  }
0x41: {  	_ =	shalt  }
0x42: {  	_ =	shalt  }
0x43: {  	_ =	shalt  }
0x44: {  	_ =	shalt  }
0x45: {  	_ =	shalt  }
0x46: {  	_ =	shalt  }
0x47: {  	_ =	shalt  }
0x48: {  	_ =	shalt  }
0x49: {  	_ =	shalt  }
0x4a: {  	_ =	shalt  }
0x4b: {  	_ =	shalt  }
0x4c: {  	_ =	shalt  }
0x4d: {  	_ =	shalt  }
0x4e: {  	_ =	shalt  }
0x4f: {  	_ =	shalt  }
0x50: {  	_ =	shalt  }
0x51: {  	_ =	shalt  }
0x52: {  	_ =	shalt  }
0x53: {  	_ =	shalt  }
0x54: {  	_ =	shalt  }
0x55: {  	_ =	shalt  }
0x56: {  	_ =	shalt  }
0x57: {  	_ =	shalt  }
0x58: {  	_ =	shalt  }
0x59: {  	_ =	shalt  }
0x5a: {  	_ =	shalt  }
0x5b: {  	_ =	shalt  }
0x5c: {  	_ =	shalt  }
0x5d: {  	_ =	shalt  }
0x5e: {  	_ =	shalt  }
0x5f: {  	_ =	shalt  }
0x60: {  	_ =	shalt  }
0x61: {  	_ =	shalt  }
0x62: {  	_ =	shalt  }
0x63: {  	_ =	shalt  }
0x64: {  	_ =	shalt  }
0x65: {  	_ =	shalt  }
0x66: {  	_ =	shalt  }
0x67: {  	_ =	shalt  }
0x68: {  	_ =	shalt  }
0x69: {  	_ =	shalt  }
0x6a: {  	_ =	shalt  }
0x6b: {  	_ =	shalt  }
0x6c: {  	_ =	shalt  }
0x6d: {  	_ =	shalt  }
0x6e: {  	_ =	shalt  }
0x6f: {  	_ =	shalt  }
0x70: {  	_ =	shalt  }
0x71: {  	_ =	shalt  }
0x72: {  	_ =	shalt  }
0x73: {  	_ =	shalt  }
0x74: {  	_ =	shalt  }
0x75: {  	_ =	shalt  }
0x76: {  	_ =	shalt  }
0x77: {  	_ =	shalt  }
0x78: {  	_ =	shalt  }
0x79: {  	_ =	shalt  }
0x7a: {  	_ =	shalt  }
0x7b: {  	_ =	shalt  }
0x7c: {  	_ =	shalt  }
0x7d: {  	_ =	shalt  }
0x7e: {  	_ =	shalt  }
0x7f: {  	_ =	shalt  }
0x80: {  	_ =	shalt  }
0x81: {  	_ =	shalt  }
0x82: {  	_ =	shalt  }
0x83: {  	_ =	shalt  }
0x84: {  	_ =	shalt  }
0x85: {  	_ =	shalt  }
0x86: {  	_ =	shalt  }
0x87: {  	_ =	shalt  }
.Lfunc_end0:
.L_simem_size_0:
called_computation.2_lowered:
.L_overlay_start_0:
0x88: {  	s2 =	sld [smem:$0x3FD9]  }
0x89: {  	s3 =	sld [smem:$0x3FFE];
	_ =	sdelay $0x1  }
0x8a: {  	s1 =	srdreg.scid  }
0x8b: {  	s0 =	sand.u32 $0x1, s1  }
0x8c: {  	s16 =	sshll.u32 s0, $0xA;
	s2 =	sadd.s32 s3, s2  }
0x8d: {  	s2 =	sadd.s32 s2, s16  }
0x8e: {  	[smem:$0x3FBF] =	sst s2  }
0x8f: {  	_ = 	snop  }
0x90: {  	(tm) =	ssettm $0x1  }
0x91: {  	s17 =	sld [smem:$0x3FFB];
	_ =	sdelay $0x3  }
0x92: {  	_ =	strace s17  }
0x93: {  	s2 =	sld [smem:$0x3FFC];
	_ =	sdelay $0x3  }
0x94: {  	_ =	strace s2  }
0x95: {  	s2 =	sld [smem:$0x3FFD];
	_ =	sdelay $0x3  }
0x96: {  	_ =	strace s2  }
0x97: {  	_ =	strace $0x8FFFFFFF  }
0x98: {  	s18 =	sld [smem:$0x3FDB];
	_ =	sdelay $0x1  }
0x99: {  	s19 =	simm.s32 $_scs_section_size  }
0x9a: {  	s4 =	simm.s32 $_size__tile_overlayer_lowered;
	s5 =	simm.s32 $_tile_overlayer_lowered  }
0x9b: {  	s22 =	simm.s32 $0x1BFF;
	s21 =	sshll.u32 s5, $0x1;
	s2 =	sadd.s32 s19, s18  }
0x9c: {  	s6 =	simm.s32 $0x0;
	s20 =	sshll.u32 s4, $0x1;
	s4 =	sadd.s32 s21, s2  }
0x9d: {  	[timem:s6], [sflag:s22] =	dma.local [hbm:s4], s20  }
0x9e: {  	_ =	swait.ge [sflag:s22], s20  }
0x9f: {  	s3 =	ssub.s32 $0x0, s20;
	[sflag:s22] =	ssyncset.done $0x0  }
0xa0: {  	[sflag:s22] =	ssyncadd.s32 s3;
	_ =	sdelay $0x1  }
0xa1: {  	s23 =	simm.s32 $0x1B8B  }
0xa2: {  	_ =	swait.ge [sflag:s23], $0x1  }
0xa3: {  	[sflag:s23] =	ssyncset.done $0x0  }
0xa4: {  	s25 =	simm.s32 $0x1B8E;
	s24 =	sld [smem:$0x3FFE];
	[sflag:s23] =	ssyncadd.s32 $0xFFFFFFFF  }
0xa5: {  	s26 =	simm.s32 $execute0_lowered;
	[smem:$0x3FD2] =	sst s25  }
0xa6: {  	s4 =	sshll.u32 s26, $0x1;
	_ =	strace $0x8000004C;
	[dreg:$0x1] =	wrdreg $0xFFFFFFFF  }
0xa7: {  	s28 =	simm.s32 $_size_execute0_lowered;
	s2 =	sadd.s32 s2, s4;
	[dreg:$0x0] =	wrdreg $0x0  }
0xa8: {  	s4 =	sshll.u32 s28, $0x1;
	[dreg:$0x2] =	wrdreg s2  }
0xa9: {  	[dreg:$0x3] =	wrdreg s4  }
0xaa: {  	[dreg:$0x4] =	wrdreg $0xC0  }
0xab: {  	_ =	task [dreg:s6], $0x5FFFF  }
0xac: {  	[dreg:$0x1] =	wrdreg $0xFFFFFFFF  }
0xad: {  	[dreg:$0x0] =	wrdreg $0x60  }
0xae: {  	[dreg:$0x2] =	wrdreg s24  }
0xaf: {  	[dreg:$0x3] =	wrdreg $0xA9000  }
0xb0: {  	[dreg:$0x4] =	wrdreg $0x9  }
0xb1: {  	_ =	task.clear_ibuf [dreg:s6], $0x5FFFF;
	_ =	strace $0x9000004C  }
0xb2: {  	s29 =	simm.s32 $0x9;
	_ =	strace $0x8000004E  }
0xb3: {  	_ =	swait.ge [sflag:s29], $0x1  }
0xb4: {  	[sflag:s29] =	ssyncadd.s32 $0xFFFFFFFF  }
0xb5: {  	_ =	strace $0x9000004E  }
0xb6: {  	_ =	sfence  }
0xb7: {  	s30 =	sld [smem:$0x0];
	_ =	sdelay $0x2  }
0xb8: {  	s31 =	sshll.u32 s1, $0xD;
	s1 =	sshrl.u32 s1, $0x2  }
0xb9: {  	s3 =	sand.u32 $0x4000, s31;
	s1 =	sadd.s32 s1, s30  }
0xba: {  	s0 =	sor.u32 s3, s0;
	s1 =	sshll.u32 s1, $0x11  }
0xbb: {  	s0 =	sor.u32 s1, s0  }
0xbc: {  	s0 =	sadd.s32 $0x8F2B, s0  }
0xbd: {  	[sflag:s0] =	ssyncadd.remote.s32 $0x1  }
0xbe: {  	_ =	sfence.sel $0xFFFF  }
0xbf: {  	[dreg:$0x0] =	wrdreg $0xFFFFFFFF;
	(pc) =	sbr.abs _section_cstart, $3  }
0xc0: {  	[dreg:$0x1] =	wrdreg $0xFFFFFFFF  }
0xc1: {  	_ =	task.clear_ibuf [dreg:s6], $0x2FFFF;
	_ =	strace $0x9FFFFFFF  }
0xc2: {  	(tm) =	ssettm $0x7FFFFFFF  }
0xc3: {  	_ =	shalt  }
tec
execute0_lowered:
.L_overlay_start_1:
0x0: {  	(tag) =	ssettag $0x1  }
0x1: {  	s0 =	srdreg.scid;
	s1 =	rddreg [dreg:$0x0]  }
0x2: {  	s14 =	stileid.u32;
	s2 =	rddreg [dreg:$0x1]  }
0x3: {  	s17 =	simm.s32 $0x80;
	s18 =	simm.s32 $0x1;
	s19 =	simm.s32 $0x2900  }
0x4: {  	s20 =	simm.s32 $0x2;
	s21 =	simm.s32 $0x6900;
	s22 =	simm.s32 $0x3  }
0x5: {  	s23 =	simm.s32 $0x4;
	s24 =	simm.s32 $0x5;
	s25 =	simm.s32 $0x6  }
0x6: {  	s29 =	simm.s32 $0x0;
	s0 =	sand.u32 $0x1, s0;
	s3 =	sshll.u32 s14, $0x1  }
0x7: {  	s8 =	smul.u32 $0x14000, s14;
	s5 =	sadd.s32 $0x6B000, s1;
	s6 =	sadd.s32 $0x61000, s1  }
0x8: {  	s12 =	smul.u32 $0x50000, s14;
	s31 =	sshll.u32 s14, $0x6;
	s14 =	simm.s32 $0x7  }
0x9: {  	s4 =	sor.u32 s0, s3;
	s3 =	simm.s32 $0x0;
	s7 =	smul.u32 $0x140000, s0  }
0xa: {  	s0 =	ssub.s32 $0x2, s0;
	s15 =	sor.u32 $0x1C07, s31;
	s4 =	smul.u32 $0x2800, s4  }
0xb: {  	[smem:$0x7FF] =	sst s3;
	s11 =	sshrl.u32 s0, $0x1;
	s30 =	sshrl.u32 s12, $0x2  }
0xc: {  	_ =	strace $0x8000004D;
	s7 =	sadd.s32 s8, s7;
	s0 =	ssub.s32 s0, s11  }
0xd: {  	s13 =	sadd.s32 s30, s2;
	s9 =	sshrl.u32 s4, $0x3;
	s8 =	sshrl.u32 s7, $0x3  }
0xe: {  	s7 =	sadd.s32 $0xE000, s1;
	s12 =	smax.u32 s0, $0x1;
	s16 =	sshrl.u32 s13, $0x3  }
0xf: {  	s10 =	sadd.s32 s9, s1;
	s1 =	sadd.s32 s8, s1;
	s9 =	sadd.s32 s6, s9  }
0x10: {  	s8 =	sadd.s32 $0x4000, s10;
	s10 =	sadd.s32 $0x10, s9;
	s11 =	sadd.s32 $0x92200, s1  }
.LBB2_1:
0x11: {  	s0 =	simm.s32 $0x100  }
0x12: {  	[tilespmem:s0], [sflag:$0x7] =	stream.linear.gather [hbm4b:s8+s3], $0x2800, $0x38;
	[tilespmem:$0x1E900] =	vst v63  }
0x13: {  	_ =	swait.ge [sflag:s14], $0x2800  }
0x14: {  	[sflag:s14] =	ssyncset.done $0x0  }
0x15: {  	[sflag:s14] =	ssyncadd.s32 $0xFFFFD800  }
0x16: {  	[spmem:s16], [sflag:s15] =	dma.local [hbm:s7], $0x2800  }
0x17: {  	_ =	swait.ge [sflag:s14], $0x2800  }
0x18: {  	[sflag:s14] =	ssyncset.done $0x0  }
0x19: {  	[sflag:s14] =	ssyncadd.s32 $0xFFFFD800  }
0x1a: {  	[bflag:$0x0] =	sbarrier.arrive $0xFFFF  }
0x1b: {  	[tilespmem:s3], [sflag:$0x1] =	stream.linear.gather [hbm4b:s9+s3], $0x80, $0x38;
	[tilespmem:$0x1E900] =	vst v63  }
0x1c: {  	_ = 	snop  }
0x1d: {  	[tilespmem:s17], [sflag:$0x2] =	stream.linear.gather [hbm4b:s10+s3], $0x80, $0x38;
	[tilespmem:$0x1E900] =	vst v63  }
0x1e: {  	_ =	swait.ge [sflag:s18], $0x80  }
0x1f: {  	[sflag:s18] =	ssyncset.done $0x0  }
0x20: {  	[sflag:s18] =	ssyncadd.s32 $0xFFFFFF80  }
0x21: {  	[tilespmem:s19], [sflag:$0x3] =	stream.indirect.gather [hbm4b:s5+s17], $0x80, s3, s17, $0xb8;
	[tilespmem:$0x1E900] =	vst v63  }
0x22: {  	s26 =	simm.s32 $0x100;
	_ =	swait.ge [sflag:s20], $0x80  }
0x23: {  	s1 =	sand.u32 $0x7C00, s26;
	[sflag:s20] =	ssyncset.done $0x0  }
0x24: {  	s0 =	sand.u32 $0x300, s26;
	s1 =	sadd.s32 s4, s1;
	[sflag:s20] =	ssyncadd.s32 $0xFFFFFF80  }
0x25: {  	[tilespmem:s21], [sflag:$0x4] =	stream.indirect.gather [hbm4b:s5+s17], $0x80, s17, s17, $0xb8;
	[tilespmem:$0x1E900] =	vst v63  }
0x26: {  	s0 =	sor.u32 s0, s1;
	_ =	swait.ge [sflag:s22], $0x4000  }
0x27: {  	s0 =	sshrl.u32 s0, $0x3;
	[sflag:s22] =	ssyncset.done $0x0  }
0x28: {  	s1 =	simm.s32 $0x180;
	s0 =	sadd.s32 s6, s0;
	[sflag:s22] =	ssyncadd.s32 $0xFFFFC000  }
0x29: {  	[tilespmem:s3], [sflag:$0x1] =	stream.linear.gather [hbm4b:s0+s3], $0x80, $0x38;
	[tilespmem:$0x1E900] =	vst v63  }
0x2a: {  	s28 =	simm.s32 $0x100;
	s13 =	sand.u32 $0x7C00, s1  }
0x2b: {  	[spmem:s2] =	stream.indirect.scatter.add.f32 [tilespmem:s19], [sflag:$0x5], $0x80, s28, s17, $0xb8;
	[tilespmem:$0x1E900] =	vst v63  }
0x2c: {  	s26 =	sadd.s32 s4, s13;
	s28 =	sand.u32 $0x380, s1  }
0x2d: {  	_ =	swait.ge [sflag:s23], $0x4000;
	s0 =	sor.u32 s28, s26  }
0x2e: {  	[sflag:s23] =	ssyncset.done $0x0;
	s0 =	sshrl.u32 s0, $0x3  }
0x2f: {  	[sflag:s23] =	ssyncadd.s32 $0xFFFFC000;
	s0 =	sadd.s32 s6, s0  }
0x30: {  	[tilespmem:s17], [sflag:$0x2] =	stream.linear.gather [hbm4b:s0+s3], $0x80, $0x38;
	[tilespmem:$0x1E900] =	vst v63  }
0x31: {  	_ = 	snop  }
0x32: {  	[spmem:s2] =	stream.indirect.scatter.add.f32 [tilespmem:s21], [sflag:$0x6], $0x80, s1, s17, $0xb8;
	[tilespmem:$0x1E900] =	vst v63  }
0x33: {  	_ =	swait.ge [sflag:s24], $0x4000  }
0x34: {  	[sflag:s24] =	ssyncset.done $0x0  }
0x35: {  	[sflag:s24] =	ssyncadd.s32 $0xFFFFC000  }
0x36: {  	_ =	swait.ge [sflag:s18], $0x80  }
0x37: {  	[sflag:s18] =	ssyncset.done $0x0  }
0x38: {  	[sflag:s18] =	ssyncadd.s32 $0xFFFFFF80  }
0x39: {  	[tilespmem:s19], [sflag:$0x3] =	stream.indirect.gather [hbm4b:s5+s17], $0x80, s3, s17, $0xb8;
	[tilespmem:$0x1E900] =	vst v63  }
0x3a: {  	s30 =	simm.s32 $0x280;
	s31 =	simm.s32 $0x280;
	_ =	swait.ge [sflag:s25], $0x4000  }
0x3b: {  	s0 =	simm.s32 $0x200;
	s1 =	simm.s32 $0x380;
	[sflag:s25] =	ssyncset.done $0x0  }
.LBB2_2:
0x3c: {  	s26 =	sand.u32 $0x7C00, s0  }
0x3d: {  	[sflag:s25] =	ssyncadd.s32 $0xFFFFC000;
	s28 =	smov.u32 s1;
	s13 =	sadd.s32 $0x100, s1  }
0x3e: {  	s0 =	sand.u32 $0x300, s0;
	s26 =	sadd.s32 s4, s26;
	_ =	swait.ge [sflag:s20], $0x80  }
0x3f: {  	p0 =	sne.s32 s1, $0x2780;
	s0 =	sor.u32 s0, s26;
	[sflag:s20] =	ssyncset.done $0x0  }
0x40: {  	s0 =	sshrl.u32 s0, $0x3;
	[sflag:s20] =	ssyncadd.s32 $0xFFFFFF80  }
0x41: {  	[tilespmem:s21], [sflag:$0x4] =	stream.indirect.gather [hbm4b:s5+s17], $0x80, s17, s17, $0xb8;
	[tilespmem:$0x1E900] =	vst v63  }
0x42: {  	_ =	swait.ge [sflag:s22], $0x4000  }
0x43: {  	[sflag:s22] =	ssyncset.done $0x0  }
0x44: {  	s0 =	sadd.s32 s6, s0;
	[sflag:s22] =	ssyncadd.s32 $0xFFFFC000  }
0x45: {  	[tilespmem:s3], [sflag:$0x1] =	stream.linear.gather [hbm4b:s0+s3], $0x80, $0x38;
	[tilespmem:$0x1E900] =	vst v63  }
0x46: {  	s1 =	sand.u32 $0x7C00, s31;
	s0 =	sadd.s32 $0xFFFFFF80, s30  }
0x47: {  	[spmem:s2] =	stream.indirect.scatter.add.f32 [tilespmem:s19], [sflag:$0x5], $0x80, s0, s17, $0xb8;
	[tilespmem:$0x1E900] =	vst v63  }
0x48: {  	s0 =	sadd.s32 s4, s1;
	s1 =	sand.u32 $0x380, s31;
	s31 =	smov.u32 s28  }
0x49: {  	s0 =	sor.u32 s1, s0;
	_ =	swait.ge [sflag:s23], $0x4000  }
0x4a: {  	s0 =	sshrl.u32 s0, $0x3;
	[sflag:s23] =	ssyncset.done $0x0  }
0x4b: {  	s0 =	sadd.s32 s6, s0;
	[sflag:s23] =	ssyncadd.s32 $0xFFFFC000  }
0x4c: {  	[tilespmem:s17], [sflag:$0x2] =	stream.linear.gather [hbm4b:s0+s3], $0x80, $0x38;
	[tilespmem:$0x1E900] =	vst v63  }
0x4d: {  	_ = 	snop  }
0x4e: {  	[spmem:s2] =	stream.indirect.scatter.add.f32 [tilespmem:s21], [sflag:$0x6], $0x80, s30, s17, $0xb8;
	[tilespmem:$0x1E900] =	vst v63  }
0x4f: {  	_ =	swait.ge [sflag:s24], $0x4000  }
0x50: {  	[sflag:s24] =	ssyncset.done $0x0  }
0x51: {  	[sflag:s24] =	ssyncadd.s32 $0xFFFFC000  }
0x52: {  	_ =	swait.ge [sflag:s18], $0x80  }
.Ltmp0:
0x53: {  	[sflag:s18] =	ssyncset.done $0x0;
	(pc) =	sbr.rel @p0 .LBB2_2-.Ltmp0, $4  }
0x54: {  	[sflag:s18] =	ssyncadd.s32 $0xFFFFFF80  }
0x55: {  	[tilespmem:s19], [sflag:$0x3] =	stream.indirect.gather [hbm4b:s5+s17], $0x80, s3, s17, $0xb8;
	[tilespmem:$0x1E900] =	vst v63  }
0x56: {  	s1 =	smov.u32 s13;
	_ =	swait.ge [sflag:s25], $0x4000  }
0x57: {  	s0 =	sadd.s32 $0xFFFFFF80, s31;
	s30 =	sadd.s32 $0x100, s30;
	[sflag:s25] =	ssyncset.done $0x0  }
0x58: {  	[sflag:s25] =	ssyncadd.s32 $0xFFFFC000  }
0x59: {  	_ =	swait.ge [sflag:s20], $0x80  }
0x5a: {  	s1 =	sand.u32 $0x7C00, s0;
	[sflag:s20] =	ssyncset.done $0x0  }
0x5b: {  	s28 =	sand.u32 $0x300, s0;
	s1 =	sadd.s32 s4, s1;
	[sflag:s20] =	ssyncadd.s32 $0xFFFFFF80  }
0x5c: {  	[tilespmem:s21], [sflag:$0x4] =	stream.indirect.gather [hbm4b:s5+s17], $0x80, s17, s17, $0xb8;
	[tilespmem:$0x1E900] =	vst v63  }
0x5d: {  	s0 =	sor.u32 s28, s1;
	_ =	swait.ge [sflag:s22], $0x4000  }
0x5e: {  	s0 =	sshrl.u32 s0, $0x3;
	[sflag:s22] =	ssyncset.done $0x0  }
0x5f: {  	s13 =	sand.u32 $0x7C00, s31;
	s0 =	sadd.s32 s6, s0;
	[sflag:s22] =	ssyncadd.s32 $0xFFFFC000  }
0x60: {  	[tilespmem:s3], [sflag:$0x1] =	stream.linear.gather [hbm4b:s0+s3], $0x80, $0x38;
	[tilespmem:$0x1E900] =	vst v63  }
0x61: {  	s26 =	sadd.s32 s4, s13;
	s1 =	sadd.s32 $0xFFFFFF80, s30;
	s28 =	sand.u32 $0x380, s31  }
0x62: {  	[spmem:s2] =	stream.indirect.scatter.add.f32 [tilespmem:s19], [sflag:$0x5], $0x80, s1, s17, $0xb8;
	[tilespmem:$0x1E900] =	vst v63  }
0x63: {  	s0 =	sor.u32 s28, s26;
	_ =	swait.ge [sflag:s23], $0x4000  }
0x64: {  	s0 =	sshrl.u32 s0, $0x3;
	[sflag:s23] =	ssyncset.done $0x0  }
0x65: {  	s0 =	sadd.s32 s6, s0;
	[sflag:s23] =	ssyncadd.s32 $0xFFFFC000  }
0x66: {  	[tilespmem:s17], [sflag:$0x2] =	stream.linear.gather [hbm4b:s0+s3], $0x80, $0x38;
	[tilespmem:$0x1E900] =	vst v63  }
0x67: {  	_ = 	snop  }
0x68: {  	[spmem:s2] =	stream.indirect.scatter.add.f32 [tilespmem:s21], [sflag:$0x6], $0x80, s30, s17, $0xb8;
	[tilespmem:$0x1E900] =	vst v63  }
0x69: {  	_ =	swait.ge [sflag:s24], $0x4000  }
0x6a: {  	[sflag:s24] =	ssyncset.done $0x0  }
0x6b: {  	[sflag:s24] =	ssyncadd.s32 $0xFFFFC000  }
0x6c: {  	_ =	swait.ge [sflag:s18], $0x80  }
0x6d: {  	[sflag:s18] =	ssyncset.done $0x0  }
0x6e: {  	[sflag:s18] =	ssyncadd.s32 $0xFFFFFF80  }
0x6f: {  	[tilespmem:s19], [sflag:$0x3] =	stream.indirect.gather [hbm4b:s5+s17], $0x80, s3, s17, $0xb8;
	[tilespmem:$0x1E900] =	vst v63  }
0x70: {  	_ =	swait.ge [sflag:s25], $0x4000  }
0x71: {  	[sflag:s25] =	ssyncset.done $0x0  }
0x72: {  	[sflag:s25] =	ssyncadd.s32 $0xFFFFC000  }
0x73: {  	_ =	swait.ge [sflag:s20], $0x80  }
0x74: {  	[sflag:s20] =	ssyncset.done $0x0  }
0x75: {  	[sflag:s20] =	ssyncadd.s32 $0xFFFFFF80  }
0x76: {  	[tilespmem:s21], [sflag:$0x4] =	stream.indirect.gather [hbm4b:s5+s17], $0x80, s17, s17, $0xb8;
	[tilespmem:$0x1E900] =	vst v63  }
0x77: {  	_ =	swait.ge [sflag:s22], $0x4000  }
0x78: {  	[sflag:s22] =	ssyncset.done $0x0  }
0x79: {  	s30 =	simm.s32 $0x2800;
	[sflag:s22] =	ssyncadd.s32 $0xFFFFC000  }
0x7a: {  	[spmem:s2] =	stream.indirect.scatter.add.f32 [tilespmem:s19], [sflag:$0x5], $0x80, s30, s17, $0xb8;
	[tilespmem:$0x1E900] =	vst v63  }
0x7b: {  	_ =	swait.ge [sflag:s23], $0x4000  }
0x7c: {  	[sflag:s23] =	ssyncset.done $0x0  }
0x7d: {  	s31 =	simm.s32 $0x2880;
	[sflag:s23] =	ssyncadd.s32 $0xFFFFC000  }
0x7e: {  	[spmem:s2] =	stream.indirect.scatter.add.f32 [tilespmem:s21], [sflag:$0x6], $0x80, s31, s17, $0xb8;
	[tilespmem:$0x1E900] =	vst v63  }
0x7f: {  	_ =	swait.ge [sflag:s24], $0x4000  }
0x80: {  	[sflag:s24] =	ssyncset.done $0x0  }
0x81: {  	[sflag:s24] =	ssyncadd.s32 $0xFFFFC000  }
0x82: {  	_ =	swait.ge [sflag:s25], $0x4000  }
0x83: {  	s29 =	sadd.s32 $0x1, s29;
	[sflag:s25] =	ssyncset.done $0x0  }
0x84: {  	p0 =	sne.s32 s29, s12;
	[sflag:s25] =	ssyncadd.s32 $0xFFFFC000  }
.Ltmp1:
0x85: {  	[bflag:$0x0] =	sbarrier.arrive $0xFFFF;
	(pc) =	sbr.rel @p0 .LBB2_1-.Ltmp1, $4  }
0x86: {  	[hbm:s11], [sflag:s15] =	dma.local [spmem:s16], $0x2800  }
0x87: {  	_ =	swait.ge [sflag:s14], $0x2800  }
0x88: {  	[sflag:s14] =	ssyncset.done $0x0  }
0x89: {  	[sflag:s14] =	ssyncadd.s32 $0xFFFFD800  }
0x8a: {  	_ =	sfence.sel $0x180000  }
0x8b: {  	[bflag:$0x0] =	sbarrier.arrive $0xFFFF  }
0x8c: {  	_ =	strace $0x9000004D  }
0x8d: {  	s0 =	stileid.u32;
	[bflag:$0x2] =	sbarrier.arrive $0xFFFF  }
0x8e: {  	p0 =	sne.s32 s0, $0x0;
	s0 =	rddreg [dreg:$0x2]  }
0x8f: {  	s0 =	sadd.s32 @!p0 $0x100000, s0  }
0x90: {  	[sflag:s0] =	ssyncadd.tile.s32 @!p0 $0x1;
	_ =	shalt  }
.Lfunc_end2:
_tile_overlayer_lowered:
.L_overlay_start_2:
0x91: {  	(tag) =	ssettag $0x2  }
0x92: {  	s0 =	rddreg [dreg:$0x0];
	s2 =	stileid.u32  }
0x93: {  	s1 =	rddreg [dreg:$0x1];
	p0 =	sne.s32 s2, $0x0  }
0x94: {  	s3 =	rddreg [dreg:$0x2];
	[bflag:$0x3] =	sbarrier.arrive $0xFFFF;
	s2 =	simm.s32 @!p0 $0x1C07  }
0x95: {  	[timem:s3], [sflag:s2] =	dma.local @!p0 [hbm:s0], s1  }
0x96: {  	s0 =	simm.s32 @!p0 $0x7  }
0x97: {  	_ =	swait.ge @!p0 [sflag:s0], s1  }
0x98: {  	s1 =	ssub.s32 @!p0 $0x0, s1;
	[sflag:s0] =	ssyncset.done @!p0 $0x0  }
0x99: {  	[sflag:s0] =	ssyncadd.s32 @!p0 s1  }
0x9a: {  	[bflag:$0x3] =	sbarrier.arrive $0xFFFF  }
0x9b: {  	_ =	shalt  }

// kernel: kernel.8.cloned.1.call-start
scs
__scs_entry_jumppad:
0x0: {  	(pc) =	sbr.rel $0x88, $3  }
0x1: {  	(tag) =	ssettag $0x0;
	lr =	simm.s32 $0x1  }
0x2: {  	[smem:$0x3F98] =	sst lr;
	_ =	strace $0xD0000000  }
0x3: {  	_ = 	snop  }
0x4: {  	_ = 	snop  }
0x5: {  	_ = 	snop  }
0x6: {  	_ = 	snop  }
0x7: {  	_ = 	snop  }
__scs_overlays_trampoline_lowered:
0x8: {  	[smem:$0x3FA7] =	sst s0  }
0x9: {  	[smem:$0x3FA8] =	sst s1  }
0xa: {  	[smem:$0x3FA9] =	sst s2  }
0xb: {  	[smem:$0x3FAA] =	sst s3  }
0xc: {  	[smem:$0x3FAB] =	sst s4  }
0xd: {  	[smem:$0x3FAC] =	sst s5  }
0xe: {  	[smem:$0x3FAD] =	sst s6  }
0xf: {  	[smem:$0x3FAE] =	sst s7  }
0x10: {  	[smem:$0x3FAF] =	sst s8  }
0x11: {  	[smem:$0x3FB0] =	sst s9;
	s0 =	simm.s32 @!p0 $0x0  }
0x12: {  	s1 =	sld [smem:$0x3F96];
	s0 =	simm.s32 @p0 $0x1  }
0x13: {  	[smem:$0x3FB1] =	sst s0;
	s0 =	simm.s32 @!p1 $0x0  }
0x14: {  	s2 =	sld [smem:$0x3F95];
	s0 =	simm.s32 @p1 $0x1  }
0x15: {  	[smem:$0x3FB2] =	sst s0;
	s0 =	simm.s32 @!p2 $0x0  }
0x16: {  	s3 =	sld [smem:$0x3FDB];
	s0 =	simm.s32 @p2 $0x1  }
0x17: {  	s4 =	simm.s32 $0x1BF5;
	[smem:$0x3FB4] =	sst s0  }
0x18: {  	s0 =	sld [smem:$0x3F97];
	_ =	swait.ge [sflag:s4], $0x0  }
0x19: {  	s7 =	sld [smem:$0x3F98]  }
0x1a: {  	s8 =	sadd.s32 $0xFFFFE003, lr  }
0x1b: {  	s9 =	sadd.s32 $0xFFFFFEF7, lr;
	s5 =	simm.s32 $0xFFFFFFFF;
	p2 =	slt.u32 s8, $0xFFFFF086  }
0x1c: {  	p1 =	slt.u32 s9, $0xF7A;
	s5 =	simm.s32 @!p2 $0x0  }
0x1d: {  	s5 =	simm.s32 @p1 $0x1;
	p0 =	seq.s32 s7, s2  }
0x1e: {  	s7 =	smul.u32 @!p0 $0xF7A, s2;
	p2 =	seq.s32 @!p0 s5, $0x0  }
0x1f: {  	s9 =	smul.u32 $0xF7A, s1;
	s8 =	simm.s32 @!p0 $0x1BF5;
	p2 =	por !p2, p0  }
0x20: {  	[sflag:s8] =	ssyncset.s32 @!p0 $0xFFFFF086;
	s6 =	sadd.s32 @!p0 s3, s7;
	s7 =	simm.s32 @!p0 $0x108  }
0x21: {  	s3 =	sadd.s32 s3, s9;
	s6 =	sadd.s32 @!p0 $0x88, s6;
	s7 =	simm.s32 @p2 $0x1082  }
0x22: {  	[simem:s7], [sflag:s8] =	dma.local @!p0 [hbm:s6], $0xF7A  }
0x23: {  	s9 =	sor.u32 $0xD0000000, s2;
	s6 =	simm.s32 $0x108;
	_ =	swait.ge @!p0 [sflag:s8], $0x0  }
0x24: {  	s3 =	sadd.s32 $0x88, s3;
	s6 =	simm.s32 @!p1 $0x1082;
	[sflag:s4] =	ssyncset.s32 $0xFFFFF086  }
0x25: {  	[simem:s6], [sflag:s4] =	dma.local [hbm:s3], $0xF7A  }
0x26: {  	[smem:$0x3F98] =	sst s1;
	(tag) =	ssettag s2;
	_ =	strace s9  }
0x27: {  	s1 =	sld [smem:$0x3FA8]  }
0x28: {  	s2 =	sld [smem:$0x3FA9]  }
0x29: {  	s4 =	sld [smem:$0x3FAB]  }
0x2a: {  	p0 =	seq.s32 s5, $0x0;
	s5 =	sld [smem:$0x3FAC]  }
0x2b: {  	s6 =	sld [smem:$0x3FAD]  }
0x2c: {  	s7 =	sld [smem:$0x3FAE]  }
0x2d: {  	s3 =	simm.s32 $0x108;
	s8 =	sld [smem:$0x3FAF]  }
0x2e: {  	s3 =	simm.s32 @!p0 $0x1082;
	s9 =	sld [smem:$0x3FB0]  }
0x2f: {  	lr =	sadd.s32 s0, s3;
	s0 =	sld [smem:$0x3FA7]  }
0x30: {  	s3 =	sld [smem:$0x3FAA]  }
0x31: {  	[smem:$0x3FB3] =	sst s10  }
0x32: {  	s10 =	sld [smem:$0x3FB1];
	_ =	sdelay $0x3  }
0x33: {  	p0 =	seq.s32 s10, $0x1;
	s10 =	sld [smem:$0x3FB3];
	_ =	sdelay $0x3  }
0x34: {  	[smem:$0x3FB3] =	sst s10  }
0x35: {  	s10 =	sld [smem:$0x3FB2];
	_ =	sdelay $0x3  }
0x36: {  	p1 =	seq.s32 s10, $0x1;
	s10 =	sld [smem:$0x3FB3];
	_ =	sdelay $0x3  }
0x37: {  	[smem:$0x3FB3] =	sst s10  }
0x38: {  	s10 =	sld [smem:$0x3FB4]  }
0x39: {  	_ = 	snop;
	(pc) =	sbr.ind lr, $3  }
0x3a: {  	_ = 	snop  }
0x3b: {  	_ = 	snop  }
0x3c: {  	p2 =	seq.s32 s10, $0x1;
	s10 =	sld [smem:$0x3FB3]  }
0x3d: {  	_ =	shalt  }
0x3e: {  	_ =	shalt  }
0x3f: {  	_ =	shalt  }
0x40: {  	_ =	shalt  }
0x41: {  	_ =	shalt  }
0x42: {  	_ =	shalt  }
0x43: {  	_ =	shalt  }
0x44: {  	_ =	shalt  }
0x45: {  	_ =	shalt  }
0x46: {  	_ =	shalt  }
0x47: {  	_ =	shalt  }
0x48: {  	_ =	shalt  }
0x49: {  	_ =	shalt  }
0x4a: {  	_ =	shalt  }
0x4b: {  	_ =	shalt  }
0x4c: {  	_ =	shalt  }
0x4d: {  	_ =	shalt  }
0x4e: {  	_ =	shalt  }
0x4f: {  	_ =	shalt  }
0x50: {  	_ =	shalt  }
0x51: {  	_ =	shalt  }
0x52: {  	_ =	shalt  }
0x53: {  	_ =	shalt  }
0x54: {  	_ =	shalt  }
0x55: {  	_ =	shalt  }
0x56: {  	_ =	shalt  }
0x57: {  	_ =	shalt  }
0x58: {  	_ =	shalt  }
0x59: {  	_ =	shalt  }
0x5a: {  	_ =	shalt  }
0x5b: {  	_ =	shalt  }
0x5c: {  	_ =	shalt  }
0x5d: {  	_ =	shalt  }
0x5e: {  	_ =	shalt  }
0x5f: {  	_ =	shalt  }
0x60: {  	_ =	shalt  }
0x61: {  	_ =	shalt  }
0x62: {  	_ =	shalt  }
0x63: {  	_ =	shalt  }
0x64: {  	_ =	shalt  }
0x65: {  	_ =	shalt  }
0x66: {  	_ =	shalt  }
0x67: {  	_ =	shalt  }
0x68: {  	_ =	shalt  }
0x69: {  	_ =	shalt  }
0x6a: {  	_ =	shalt  }
0x6b: {  	_ =	shalt  }
0x6c: {  	_ =	shalt  }
0x6d: {  	_ =	shalt  }
0x6e: {  	_ =	shalt  }
0x6f: {  	_ =	shalt  }
0x70: {  	_ =	shalt  }
0x71: {  	_ =	shalt  }
0x72: {  	_ =	shalt  }
0x73: {  	_ =	shalt  }
0x74: {  	_ =	shalt  }
0x75: {  	_ =	shalt  }
0x76: {  	_ =	shalt  }
0x77: {  	_ =	shalt  }
0x78: {  	_ =	shalt  }
0x79: {  	_ =	shalt  }
0x7a: {  	_ =	shalt  }
0x7b: {  	_ =	shalt  }
0x7c: {  	_ =	shalt  }
0x7d: {  	_ =	shalt  }
0x7e: {  	_ =	shalt  }
0x7f: {  	_ =	shalt  }
0x80: {  	_ =	shalt  }
0x81: {  	_ =	shalt  }
0x82: {  	_ =	shalt  }
0x83: {  	_ =	shalt  }
0x84: {  	_ =	shalt  }
0x85: {  	_ =	shalt  }
0x86: {  	_ =	shalt  }
0x87: {  	_ =	shalt  }
.Lfunc_end0:
.L_simem_size_0:
called_computation_lowered:
.L_overlay_start_0:
0x88: {  	s2 =	sld [smem:$0x3FD9]  }
0x89: {  	s3 =	sld [smem:$0x3FFE];
	_ =	sdelay $0x1  }
0x8a: {  	s1 =	srdreg.scid  }
0x8b: {  	s0 =	sand.u32 $0x1, s1  }
0x8c: {  	s16 =	sshll.u32 s0, $0xA;
	s2 =	sadd.s32 s3, s2  }
0x8d: {  	s2 =	sadd.s32 s2, s16  }
0x8e: {  	[smem:$0x3FBF] =	sst s2  }
0x8f: {  	_ = 	snop  }
0x90: {  	(tm) =	ssettm $0x1  }
0x91: {  	s17 =	sld [smem:$0x3FFB];
	_ =	sdelay $0x3  }
0x92: {  	_ =	strace s17  }
0x93: {  	s2 =	sld [smem:$0x3FFC];
	_ =	sdelay $0x3  }
0x94: {  	_ =	strace s2  }
0x95: {  	s2 =	sld [smem:$0x3FFD];
	_ =	sdelay $0x3  }
0x96: {  	_ =	strace s2  }
0x97: {  	_ =	strace $0x8FFFFFFF  }
0x98: {  	s18 =	sld [smem:$0x3FDB];
	_ =	sdelay $0x1  }
0x99: {  	s19 =	simm.s32 $_scs_section_size  }
0x9a: {  	s4 =	simm.s32 $_size__tile_overlayer_lowered;
	s5 =	simm.s32 $_tile_overlayer_lowered  }
0x9b: {  	s22 =	simm.s32 $0x1BFF;
	s21 =	sshll.u32 s5, $0x1;
	s2 =	sadd.s32 s19, s18  }
0x9c: {  	s6 =	simm.s32 $0x0;
	s20 =	sshll.u32 s4, $0x1;
	s4 =	sadd.s32 s21, s2  }
0x9d: {  	[timem:s6], [sflag:s22] =	dma.local [hbm:s4], s20  }
0x9e: {  	_ =	swait.ge [sflag:s22], s20  }
0x9f: {  	s3 =	ssub.s32 $0x0, s20;
	[sflag:s22] =	ssyncset.done $0x0  }
0xa0: {  	[sflag:s22] =	ssyncadd.s32 s3;
	_ =	sdelay $0x1  }
0xa1: {  	s23 =	simm.s32 $0x1B8B  }
0xa2: {  	_ =	swait.ge [sflag:s23], $0x1  }
0xa3: {  	[sflag:s23] =	ssyncset.done $0x0  }
0xa4: {  	s25 =	simm.s32 $0x1B8E;
	s24 =	sld [smem:$0x3FFE];
	[sflag:s23] =	ssyncadd.s32 $0xFFFFFFFF  }
0xa5: {  	s26 =	simm.s32 $execute0_lowered;
	[smem:$0x3FD2] =	sst s25  }
0xa6: {  	s4 =	sshll.u32 s26, $0x1;
	_ =	strace $0x80000046;
	[dreg:$0x1] =	wrdreg $0xFFFFFFFF  }
0xa7: {  	s28 =	simm.s32 $_size_execute0_lowered;
	s2 =	sadd.s32 s2, s4;
	[dreg:$0x0] =	wrdreg $0x0  }
0xa8: {  	s4 =	sshll.u32 s28, $0x1;
	[dreg:$0x2] =	wrdreg s2  }
0xa9: {  	[dreg:$0x3] =	wrdreg s4  }
0xaa: {  	[dreg:$0x4] =	wrdreg $0xC0  }
0xab: {  	_ =	task [dreg:s6], $0x5FFFF  }
0xac: {  	[dreg:$0x1] =	wrdreg $0xFFFFFFFF  }
0xad: {  	[dreg:$0x0] =	wrdreg $0x60  }
0xae: {  	[dreg:$0x2] =	wrdreg s24  }
0xaf: {  	[dreg:$0x3] =	wrdreg $0x68000  }
0xb0: {  	[dreg:$0x4] =	wrdreg $0x9  }
0xb1: {  	_ =	task.clear_ibuf [dreg:s6], $0x5FFFF;
	_ =	strace $0x90000046  }
0xb2: {  	s29 =	simm.s32 $0x9;
	_ =	strace $0x80000048  }
0xb3: {  	_ =	swait.ge [sflag:s29], $0x1  }
0xb4: {  	[sflag:s29] =	ssyncadd.s32 $0xFFFFFFFF  }
0xb5: {  	_ =	strace $0x90000048  }
0xb6: {  	_ =	sfence  }
0xb7: {  	s30 =	sld [smem:$0x0];
	_ =	sdelay $0x2  }
0xb8: {  	s31 =	sshll.u32 s1, $0xD;
	s1 =	sshrl.u32 s1, $0x2  }
0xb9: {  	s3 =	sand.u32 $0x4000, s31;
	s1 =	sadd.s32 s1, s30  }
0xba: {  	s0 =	sor.u32 s3, s0;
	s1 =	sshll.u32 s1, $0x11  }
0xbb: {  	s0 =	sor.u32 s1, s0  }
0xbc: {  	s0 =	sadd.s32 $0x8F2B, s0  }
0xbd: {  	[sflag:s0] =	ssyncadd.remote.s32 $0x1  }
0xbe: {  	_ =	sfence.sel $0xFFFF  }
0xbf: {  	[dreg:$0x0] =	wrdreg $0xFFFFFFFF;
	(pc) =	sbr.abs _section_cstart, $3  }
0xc0: {  	[dreg:$0x1] =	wrdreg $0xFFFFFFFF  }
0xc1: {  	_ =	task.clear_ibuf [dreg:s6], $0x2FFFF;
	_ =	strace $0x9FFFFFFF  }
0xc2: {  	(tm) =	ssettm $0x7FFFFFFF  }
0xc3: {  	_ =	shalt  }
tec
execute0_lowered:
.L_overlay_start_1:
0x0: {  	(tag) =	ssettag $0x1  }
0x1: {  	s1 =	srdreg.scid  }
0x2: {  	s0 =	stileid.u32;
	s7 =	rddreg [dreg:$0x0]  }
0x3: {  	s2 =	rddreg [dreg:$0x1];
	s3 =	simm.s32 $0x0;
	s13 =	simm.s32 $0x80  }
0x4: {  	s14 =	simm.s32 $0x0;
	s6 =	sand.u32 $0x1, s1;
	s8 =	smul.u32 $0x14000, s0  }
0x5: {  	s30 =	sshll.u32 s0, $0x1;
	[smem:$0x7FF] =	sst s3;
	s10 =	smul.u32 $0x50000, s0  }
0x6: {  	s11 =	sshll.u32 s0, $0x6;
	s1 =	sor.u32 s6, s30;
	s5 =	smul.u32 $0x140000, s6  }
0x7: {  	s6 =	ssub.s32 $0x2, s6;
	s11 =	sor.u32 $0x1C01, s11;
	s4 =	smul.u32 $0x500, s1  }
0x8: {  	s1 =	rddreg [dreg:$0x2];
	_ =	strace $0x80000047;
	s31 =	sshrl.u32 s6, $0x1  }
0x9: {  	s10 =	sshrl.u32 s10, $0x2;
	s8 =	sadd.s32 s8, s5;
	s5 =	sadd.s32 $0xE000, s7  }
0xa: {  	s12 =	sadd.s32 s10, s2;
	s10 =	simm.s32 $0x2800;
	s9 =	sadd.s32 s4, s7  }
0xb: {  	s4 =	sadd.s32 $0x10800, s7;
	s8 =	sshrl.u32 s8, $0x3;
	s12 =	sshrl.u32 s12, $0x3  }
0xc: {  	s7 =	sadd.s32 s8, s7;
	s8 =	ssub.s32 s6, s31;
	s6 =	sadd.s32 $0x4000, s9  }
0xd: {  	s9 =	simm.s32 $0x1;
	s7 =	sadd.s32 $0x11000, s7;
	s8 =	smax.u32 s8, $0x1  }
.LBB2_1:
0xe: {  	[tilespmem:s3], [sflag:$0x1] =	stream.linear.gather [hbm4b:s6+s3], $0x2800, $0x38;
	[tilespmem:$0x1A800] =	vst v63  }
0xf: {  	_ =	swait.ge [sflag:s9], $0x2800  }
0x10: {  	[sflag:s9] =	ssyncset.done $0x0  }
0x11: {  	[sflag:s9] =	ssyncadd.s32 $0xFFFFD800  }
0x12: {  	[tilespmem:s10], [sflag:$0x1] =	stream.linear.gather [hbm4b:s4+s3], $0x4000, $0x38;
	[tilespmem:$0x1A800] =	vst v63  }
0x13: {  	_ =	swait.ge [sflag:s9], $0x4000  }
0x14: {  	[sflag:s9] =	ssyncset.done $0x0  }
0x15: {  	[sflag:s9] =	ssyncadd.s32 $0xFFFFC000  }
0x16: {  	[spmem:s12], [sflag:s11] =	dma.local [hbm:s5], $0x2800  }
0x17: {  	_ =	swait.ge [sflag:s9], $0x2800  }
0x18: {  	[sflag:s9] =	ssyncset.done $0x0  }
0x19: {  	[sflag:s9] =	ssyncadd.s32 $0xFFFFD800  }
0x1a: {  	s15 =	simm.s32 $0x0;
	[bflag:$0x0] =	sbarrier.arrive $0xFFFF  }
0x1b: {  	[spmem:s2] =	stream.indirect.scatter.add.f32 [tilespmem:s10], [sflag:$0x1], $0x80, s15, s13, $0xb8;
	[tilespmem:$0x1A800] =	vst v63  }
0x1c: {  	_ =	swait.ge [sflag:s9], $0x4000  }
0x1d: {  	s15 =	simm.s32 $0x200;
	[sflag:s9] =	ssyncset.done $0x0  }
.LBB2_2:
0x1e: {  	s16 =	sshra.s32 s15, $0x2;
	[sflag:s9] =	ssyncadd.s32 $0xFFFFC000;
	p0 =	sne.s32 s15, $0x9E00  }
0x1f: {  	[spmem:s2] =	stream.indirect.scatter.add.f32 [tilespmem:s10], [sflag:$0x1], $0x80, s16, s13, $0xb8;
	[tilespmem:$0x1A800] =	vst v63  }
.Ltmp0:
0x20: {  	_ = 	snop;
	(pc) =	sbr.rel @p0 .LBB2_2-.Ltmp0, $4  }
0x21: {  	_ = 	snop  }
0x22: {  	s15 =	sadd.s32 $0x200, s15  }
0x23: {  	_ =	swait.ge [sflag:s9], $0x4000  }
0x24: {  	[sflag:s9] =	ssyncset.done $0x0  }
0x25: {  	s14 =	sadd.s32 $0x1, s14  }
0x26: {  	[sflag:s9] =	ssyncadd.s32 $0xFFFFC000;
	p0 =	sne.s32 s14, s8  }
.Ltmp1:
0x27: {  	[bflag:$0x0] =	sbarrier.arrive $0xFFFF;
	(pc) =	sbr.rel @p0 .LBB2_1-.Ltmp1, $4  }
0x28: {  	[hbm:s7], [sflag:s11] =	dma.local [spmem:s12], $0x2800  }
0x29: {  	_ =	swait.ge [sflag:s9], $0x2800  }
0x2a: {  	[sflag:s9] =	ssyncset.done $0x0  }
0x2b: {  	[sflag:s9] =	ssyncadd.s32 $0xFFFFD800  }
0x2c: {  	_ =	sfence.sel $0x180000  }
0x2d: {  	[bflag:$0x0] =	sbarrier.arrive $0xFFFF  }
0x2e: {  	p0 =	sne.s32 s0, $0x0;
	_ =	strace $0x90000047  }
0x2f: {  	s0 =	sadd.s32 @!p0 $0x100000, s1;
	[bflag:$0x2] =	sbarrier.arrive $0xFFFF  }
0x30: {  	[sflag:s0] =	ssyncadd.tile.s32 @!p0 $0x1;
	_ =	shalt  }
.Lfunc_end2:
_tile_overlayer_lowered:
.L_overlay_start_2:
0x31: {  	(tag) =	ssettag $0x2  }
0x32: {  	s0 =	rddreg [dreg:$0x0];
	s2 =	stileid.u32  }
0x33: {  	s1 =	rddreg [dreg:$0x1];
	p0 =	sne.s32 s2, $0x0  }
0x34: {  	s3 =	rddreg [dreg:$0x2];
	[bflag:$0x3] =	sbarrier.arrive $0xFFFF;
	s2 =	simm.s32 @!p0 $0x1C01  }
0x35: {  	[timem:s3], [sflag:s2] =	dma.local @!p0 [hbm:s0], s1  }
0x36: {  	s0 =	simm.s32 @!p0 $0x1  }
0x37: {  	_ =	swait.ge @!p0 [sflag:s0], s1  }
0x38: {  	s1 =	ssub.s32 @!p0 $0x0, s1;
	[sflag:s0] =	ssyncset.done @!p0 $0x0  }
0x39: {  	[sflag:s0] =	ssyncadd.s32 @!p0 s1  }
0x3a: {  	[bflag:$0x3] =	sbarrier.arrive $0xFFFF  }
0x3b: {  	_ =	shalt  }

</sc_bundles>
